<compile_context>
chip_gen: v7x
topology: tpu7x:2x2x1
jax: 0.10.2.dev20260603
libtpu: 0.0.44.dev20260713+nightly
codegen_flags: <defaults>
</compile_context>

<pallas_src>
import functools

import jax
import jax.numpy as jnp
from jax import lax
from jax.experimental import pallas as pl
from jax.experimental.pallas import tpu as pltpu
from jax.experimental.pallas import tpu_sc as plsc

HEADS = 32
TBL = 64
B = 8
N = 512
R = 8
CHUNKS = N // R
CHW = R * N
NW = 32
HPW = HEADS // (NW // B)


def _sc_body(mat_hbm, tbl_hbm, out_hbm, tbl_v,
             idx0, idx1, out0, out1, sem_in, sem_out):
    cid = lax.axis_index("c")
    sid = lax.axis_index("s")
    wid = sid * 2 + cid
    b = wid % B
    h0 = (wid // B) * HPW
    plane0 = b * HEADS + h0
    mbase = b * (N * N)
    hbase = h0 * TBL

    idx_bufs = [idx0, idx1]
    out_bufs = [out0, out1]

    pltpu.sync_copy(tbl_hbm, tbl_v)

    def in_dma(c, buf):
        return pltpu.make_async_copy(
            mat_hbm.at[pl.ds(mbase + c * CHW, CHW)], buf, sem_in)

    def out_dma(c, buf):
        return pltpu.make_async_copy(
            buf, out_hbm.at[pl.ds(plane0, HPW), pl.ds(c * CHW, CHW)], sem_out)

    in_dma(0, idx_bufs[0]).start()

    def pair_body(t, carry):
        for p in range(2):
            c = 2 * t + p
            ibuf = idx_bufs[p]
            obuf = out_bufs[p]

            in_dma(c, ibuf).wait()

            @pl.when(c + 1 < CHUNKS)
            def _():
                in_dma(c + 1, idx_bufs[1 - p]).start()

            @pl.when(c >= 2)
            def _():
                out_dma(c - 2, obuf).wait()

            def vec_body(i, carry2):
                m = ibuf[pl.ds(i * 16, 16)]
                iv = jnp.where(m < 0, 52, jnp.minimum(m, 51)) + hbase
                for h in range(HPW):
                    val = plsc.load_gather(tbl_v, [iv + h * TBL])
                    obuf[h, pl.ds(i * 16, 16)] = val
                return carry2

            lax.fori_loop(0, CHW // 16, vec_body, 0, unroll=2)

            out_dma(c, obuf).start()
        return carry

    lax.fori_loop(0, CHUNKS // 2, pair_body, 0)

    out_dma(CHUNKS - 2, out_bufs[0]).wait()
    out_dma(CHUNKS - 1, out_bufs[1]).wait()


def kernel(matrix, hop_bias):
    mat = matrix.reshape(-1)
    tbl = jnp.zeros((HEADS, TBL), jnp.float32)
    tbl = tbl.at[:, :hop_bias.shape[0]].set(hop_bias.T).reshape(-1)

    mesh = plsc.VectorSubcoreMesh(core_axis_name="c", subcore_axis_name="s")
    run = functools.partial(
        pl.kernel,
        out_type=jax.ShapeDtypeStruct((B * HEADS, N * N), jnp.float32),
        mesh=mesh,
        scratch_types=[
            pltpu.VMEM((HEADS * TBL,), jnp.float32),
            pltpu.VMEM((CHW,), jnp.int32),
            pltpu.VMEM((CHW,), jnp.int32),
            pltpu.VMEM((HPW, CHW), jnp.float32),
            pltpu.VMEM((HPW, CHW), jnp.float32),
            pltpu.SemaphoreType.DMA,
            pltpu.SemaphoreType.DMA,
        ],
        compiler_params=pltpu.CompilerParams(needs_layout_passes=False),
    )(_sc_body)

    out = run(mat, tbl)
    return out.reshape(B, HEADS, N, N)

# --- scband reference (transcript-rebuilt; emitter-appended) ---
"""Pipeline reference for scband-spdattention-bias-59803124630050 (READ-ONLY COPY).

The authoritative reference and input builder live on the scoring server;
editing this copy changes nothing except your own understanding.
"""

import jax, jax.numpy as jnp
import numpy as np

HEADS = 32
MAX_DISTANCE = 50
OVERFLOW_BUCKET = MAX_DISTANCE + 1  # 51
PAD_BUCKET = MAX_DISTANCE + 2       # 52
TABLE_SIZE = MAX_DISTANCE + 3       # 53


def setup_inputs(seed: int = 0) -> dict:
    key = jax.random.key(seed)
    k1, k2 = jax.random.split(key)
    # matrix: shortest-path-distance matrix per graph, [B, N, N]
    matrix = jax.random.randint(k1, (8, 512, 512), 0, 60, dtype=jnp.int32)
    # nn.Embedding(53, 32) weight; padding_idx row (PAD_BUCKET) is zeroed at init
    hop_bias = jax.random.normal(k2, (TABLE_SIZE, HEADS), dtype=jnp.float32)
    hop_bias = hop_bias.at[PAD_BUCKET].set(0.0)
    return {"matrix": matrix, "hop_bias": hop_bias}


def reference(matrix, hop_bias):
    # idx = where(matrix < 0, pad_bucket, clamp_max(matrix, overflow_bucket))
    idx = jnp.where(matrix < 0,
                    jnp.full_like(matrix, PAD_BUCKET),
                    jnp.minimum(matrix, OVERFLOW_BUCKET)).astype(jnp.int32)
    # embedding lookup -> [B, N, N, heads]
    B_spd = jnp.take(hop_bias, idx, axis=0)
    # zero out entries where matrix == -1 (mask broadcast over heads)
    mask3d = (matrix == -1)
    B_spd = jnp.where(mask3d[..., None], jnp.zeros((), dtype=B_spd.dtype), B_spd)
    # permute to [B, heads, N, N]
    B_spd = jnp.transpose(B_spd, (0, 3, 1, 2))
    return B_spd

if __name__ == "__main__":
    import jax
    _d = setup_inputs()
    print(jax.jit(kernel)(*tuple(_d.values())))

</pallas_src>

<mosaic_0001>
#map = affine_map<(d0, d1) -> (0)>
#map1 = affine_map<(d0, d1) -> (0, 0)>
module attributes {stable_mosaic.version = 14 : i64} {
  func.func @_sc_body(%arg0: i32, %arg1: i32, %arg2: memref<2097152xi32, #tpu.memory_space<hbm>>, %arg3: memref<2048xf32, #tpu.memory_space<hbm>>, %arg4: memref<256x262144xf32, #tpu.memory_space<hbm>>, %arg5: memref<2048xf32, #tpu.memory_space<vmem>>, %arg6: memref<4096xi32, #tpu.memory_space<vmem>>, %arg7: memref<4096xi32, #tpu.memory_space<vmem>>, %arg8: memref<8x4096xf32, #tpu.memory_space<vmem>>, %arg9: memref<8x4096xf32, #tpu.memory_space<vmem>>, %arg10: memref<!tpu.dma_semaphore, #tpu.memory_space<semaphore_mem>>, %arg11: memref<!tpu.dma_semaphore, #tpu.memory_space<semaphore_mem>>) attributes {dimension_semantics = [#tpu.dimension_semantics<core_parallel>, #tpu.dimension_semantics<subcore_parallel>], iteration_bounds = array<i64: 2, 16>, scalar_prefetch = 0 : i64, scratch_operands = 7 : i64, tpu.core_type = #tpu.core_type<sc_vector_subcore>, window_params = [{transform_indices = #map}, {transform_indices = #map}, {transform_indices = #map1}]} {
    %mul3A = arith.constant 2 : i32
    %mul3A_0 = arith.muli %arg1, %mul3A : i32
    %add3A = arith.addi %mul3A_0, %arg0 : i32
    %jit3A = arith.constant 8 : i32
    %eq3A = arith.constant 0 : i32
    %eq3A_1 = arith.cmpi eq, %jit3A, %eq3A : i32
    %jit3A_2 = arith.constant 1 : i32
    %select_n3A = arith.select %eq3A_1, %jit3A_2, %jit3A : i32
    %rem3A = arith.remsi %add3A, %select_n3A : i32
    %ne3A = arith.constant 0 : i32
    %ne3A_3 = arith.cmpi ne, %rem3A, %ne3A : i32
    %lt3A = arith.constant 0 : i32
    %lt3A_4 = arith.cmpi slt, %rem3A, %lt3A : i32
    %lt3A_5 = arith.constant 0 : i32
    %lt3A_6 = arith.cmpi slt, %select_n3A, %lt3A_5 : i32
    %ne3A_7 = arith.xori %lt3A_4, %lt3A_6 : i1
    %and3A = arith.andi %ne3A_7, %ne3A_3 : i1
    %add3A_8 = arith.addi %rem3A, %select_n3A : i32
    %select_n3A_9 = arith.select %and3A, %add3A_8, %rem3A : i32
    %jit3A_10 = arith.constant 8 : i32
    %div3A = arith.divsi %add3A, %jit3A_10 : i32
    %sign3A = arith.constant 0 : i32
    %sign3A_11 = arith.cmpi sgt, %add3A, %sign3A : i32
    %sign3A_12 = arith.extui %sign3A_11 : i1 to i32
    %sign3A_13 = arith.constant 0 : i32
    %sign3A_14 = arith.cmpi slt, %add3A, %sign3A_13 : i32
    %sign3A_15 = arith.extui %sign3A_14 : i1 to i32
    %sign3A_16 = arith.subi %sign3A_12, %sign3A_15 : i32
    %sign3A_17 = arith.constant 0 : i32
    %sign3A_18 = arith.cmpi sgt, %jit3A_10, %sign3A_17 : i32
    %sign3A_19 = arith.extui %sign3A_18 : i1 to i32
    %sign3A_20 = arith.constant 0 : i32
    %sign3A_21 = arith.cmpi slt, %jit3A_10, %sign3A_20 : i32
    %sign3A_22 = arith.extui %sign3A_21 : i1 to i32
    %sign3A_23 = arith.subi %sign3A_19, %sign3A_22 : i32
    %ne3A_24 = arith.cmpi ne, %sign3A_16, %sign3A_23 : i32
    %rem3A_25 = arith.remsi %add3A, %jit3A_10 : i32
    %ne3A_26 = arith.constant 0 : i32
    %ne3A_27 = arith.cmpi ne, %rem3A_25, %ne3A_26 : i32
    %and3A_28 = arith.andi %ne3A_24, %ne3A_27 : i1
    %sub3A = arith.constant 1 : i32
    %sub3A_29 = arith.subi %div3A, %sub3A : i32
    %select_n3A_30 = arith.select %and3A_28, %sub3A_29, %div3A : i32
    %mul3A_31 = arith.constant 8 : i32
    %mul3A_32 = arith.muli %select_n3A_30, %mul3A_31 : i32
    %mul3A_33 = arith.constant 32 : i32
    %mul3A_34 = arith.muli %select_n3A_9, %mul3A_33 : i32
    %add3A_35 = arith.addi %mul3A_34, %mul3A_32 : i32
    %mul3A_36 = arith.constant 262144 : i32
    %mul3A_37 = arith.muli %select_n3A_9, %mul3A_36 : i32
    %mul3A_38 = arith.constant 64 : i32
    %mul3A_39 = arith.muli %mul3A_32, %mul3A_38 : i32
    "tpu.region"() ({
      %run_scoped3A = tpu.sem_alloc : memref<!tpu.dma_semaphore, #tpu.memory_space<semaphore_mem>>
      tpu.enqueue_dma source(%arg3 : memref<2048xf32, #tpu.memory_space<hbm>>) target(%arg5 : memref<2048xf32, #tpu.memory_space<vmem>>) target_semaphore(%run_scoped3A : memref<!tpu.dma_semaphore, #tpu.memory_space<semaphore_mem>>)
      tpu.wait_dma2 semaphore(%run_scoped3A : memref<!tpu.dma_semaphore, #tpu.memory_space<semaphore_mem>>) src(%arg3 : memref<2048xf32, #tpu.memory_space<hbm>>) dst(%arg5 : memref<2048xf32, #tpu.memory_space<vmem>>)
      tpu.yield
    }) : () -> ()
    %add3A_40 = arith.constant 0 : i32
    %add3A_41 = arith.addi %mul3A_37, %add3A_40 : i32
    %dma_start3A = tpu.memref_slice %arg2[%add3A_41] : memref<2097152xi32, #tpu.memory_space<hbm>> -> memref<4096xi32, #tpu.memory_space<hbm>>
    %dma_start3A_42 = tpu.memref_slice %arg2[%add3A_41] : memref<2097152xi32, #tpu.memory_space<hbm>> -> memref<4096xi32, #tpu.memory_space<hbm>>
    tpu.enqueue_dma source(%dma_start3A_42 : memref<4096xi32, #tpu.memory_space<hbm>>) target(%arg6 : memref<4096xi32, #tpu.memory_space<vmem>>) target_semaphore(%arg10 : memref<!tpu.dma_semaphore, #tpu.memory_space<semaphore_mem>>)
    %scan3A = arith.constant 0 : i32
    %scan3A_43 = arith.constant 0 : i32
    %scan3A_44 = arith.constant 32 : i32
    %scan3A_45 = arith.addi %scan3A_43, %scan3A_44 : i32
    %scan3A_46 = arith.constant 1 : i32
    scf.for %scan3A_55 = %scan3A_43 to %scan3A_45 step %scan3A_46  : i32 {
      %mul3A_56 = arith.constant 2 : i32
      %mul3A_57 = arith.muli %mul3A_56, %scan3A_55 : i32
      %add3A_58 = arith.constant 0 : i32
      %add3A_59 = arith.addi %mul3A_57, %add3A_58 : i32
      %mul3A_60 = arith.constant 4096 : i32
      %mul3A_61 = arith.muli %add3A_59, %mul3A_60 : i32
      %add3A_62 = arith.addi %mul3A_37, %mul3A_61 : i32
      %dma_wait3A_63 = tpu.memref_slice %arg2[%add3A_62] : memref<2097152xi32, #tpu.memory_space<hbm>> -> memref<4096xi32, #tpu.memory_space<hbm>>
      %dma_wait3A_64 = tpu.memref_slice %arg2[%add3A_62] : memref<2097152xi32, #tpu.memory_space<hbm>> -> memref<4096xi32, #tpu.memory_space<hbm>>
      tpu.wait_dma2 semaphore(%arg10 : memref<!tpu.dma_semaphore, #tpu.memory_space<semaphore_mem>>) src(%dma_wait3A_64 : memref<4096xi32, #tpu.memory_space<hbm>>) dst(%arg6 : memref<4096xi32, #tpu.memory_space<vmem>>)
      %add3A_65 = arith.constant 1 : i32
      %add3A_66 = arith.addi %add3A_59, %add3A_65 : i32
      %lt3A_67 = arith.constant 64 : i32
      %lt3A_68 = arith.cmpi slt, %add3A_66, %lt3A_67 : i32
      %convert_element_type3A = arith.extui %lt3A_68 : i1 to i32
      %cond3A = arith.constant 0 : i32
      %cond3A_69 = arith.cmpi ne, %convert_element_type3A, %cond3A : i32
      scf.if %cond3A_69 {
        %add3A_115 = arith.constant 1 : i32
        %add3A_116 = arith.addi %add3A_59, %add3A_115 : i32
        %mul3A_117 = arith.constant 4096 : i32
        %mul3A_118 = arith.muli %add3A_116, %mul3A_117 : i32
        %add3A_119 = arith.addi %mul3A_37, %mul3A_118 : i32
        %dma_start3A_120 = tpu.memref_slice %arg2[%add3A_119] : memref<2097152xi32, #tpu.memory_space<hbm>> -> memref<4096xi32, #tpu.memory_space<hbm>>
        %dma_start3A_121 = tpu.memref_slice %arg2[%add3A_119] : memref<2097152xi32, #tpu.memory_space<hbm>> -> memref<4096xi32, #tpu.memory_space<hbm>>
        tpu.enqueue_dma source(%dma_start3A_121 : memref<4096xi32, #tpu.memory_space<hbm>>) target(%arg7 : memref<4096xi32, #tpu.memory_space<vmem>>) target_semaphore(%arg10 : memref<!tpu.dma_semaphore, #tpu.memory_space<semaphore_mem>>)
      } else {
      }
      %ge3A = arith.constant 2 : i32
      %ge3A_70 = arith.cmpi sge, %add3A_59, %ge3A : i32
      %convert_element_type3A_71 = arith.extui %ge3A_70 : i1 to i32
      %cond3A_72 = arith.constant 0 : i32
      %cond3A_73 = arith.cmpi ne, %convert_element_type3A_71, %cond3A_72 : i32
      scf.if %cond3A_73 {
        %sub3A_115 = arith.constant 2 : i32
        %sub3A_116 = arith.subi %add3A_59, %sub3A_115 : i32
        %mul3A_117 = arith.constant 4096 : i32
        %mul3A_118 = arith.muli %sub3A_116, %mul3A_117 : i32
        %dma_wait3A_119 = tpu.memref_slice %arg4[%add3A_35, %mul3A_118] : memref<256x262144xf32, #tpu.memory_space<hbm>> -> memref<8x4096xf32, #tpu.memory_space<hbm>>
        %dma_wait3A_120 = tpu.memref_slice %arg4[%add3A_35, %mul3A_118] : memref<256x262144xf32, #tpu.memory_space<hbm>> -> memref<8x4096xf32, #tpu.memory_space<hbm>>
        tpu.wait_dma2 semaphore(%arg11 : memref<!tpu.dma_semaphore, #tpu.memory_space<semaphore_mem>>) src(%arg8 : memref<8x4096xf32, #tpu.memory_space<vmem>>) dst(%dma_wait3A_120 : memref<8x4096xf32, #tpu.memory_space<hbm>>)
      } else {
      }
      %scan3A_74 = arith.constant 0 : i32
      %scan3A_75 = arith.constant 0 : i32
      %scan3A_76 = arith.constant 256 : i32
      %scan3A_77 = arith.addi %scan3A_75, %scan3A_76 : i32
      %scan3A_78 = arith.constant 2 : i32
      scf.for %scan3A_115 = %scan3A_75 to %scan3A_77 step %scan3A_78  : i32 {
        %mul3A_116 = arith.constant 16 : i32
        %mul3A_117 = arith.muli %scan3A_115, %mul3A_116 : i32
        %get3A = arith.index_cast %mul3A_117 : i32 to index
        %get3A_118 = tpu.vector_load %arg6[%get3A] {strides = array<i32>} : memref<4096xi32, #tpu.memory_space<vmem>>, vector<16xi32>,
        %lt3A_119 = arith.constant 0 : i32
        %lt3A_120 = vector.broadcast %lt3A_119 : i32 to vector<16xi32>
        %lt3A_121 = arith.cmpi slt, %get3A_118, %lt3A_120 : vector<16xi32>
        %min3A = arith.constant 51 : i32
        %min3A_122 = vector.broadcast %min3A : i32 to vector<16xi32>
        %min3A_123 = arith.minsi %get3A_118, %min3A_122 : vector<16xi32>
        %jit3A_124 = arith.constant 52 : i32
        %broadcast_in_dim3A = vector.broadcast %jit3A_124 : i32 to vector<16xi32>
        %select_n3A_125 = arith.select %lt3A_121, %broadcast_in_dim3A, %min3A_123 : vector<16xi1>, vector<16xi32>
        %add3A_126 = vector.broadcast %mul3A_39 : i32 to vector<16xi32>
        %add3A_127 = arith.addi %select_n3A_125, %add3A_126 : vector<16xi32>
        %add3A_128 = arith.constant 0 : i32
        %add3A_129 = vector.broadcast %add3A_128 : i32 to vector<16xi32>
        %add3A_130 = arith.addi %add3A_127, %add3A_129 : vector<16xi32>
        %gather3A = tpu.vector_load_idx %arg5[%add3A_130] : memref<2048xf32, #tpu.memory_space<vmem>>[vector<16xi32>], vector<16xf32>,
        %mul3A_131 = arith.constant 16 : i32
        %mul3A_132 = arith.muli %scan3A_115, %mul3A_131 : i32
        %swap3A = arith.constant 0 : i32
        %swap3A_133 = arith.index_cast %swap3A : i32 to index
        %swap3A_134 = arith.index_cast %mul3A_132 : i32 to index
        %swap3A_135 = tpu.vector_load %arg8[%swap3A_133, %swap3A_134] {strides = array<i32>} : memref<8x4096xf32, #tpu.memory_space<vmem>>, vector<16xf32>,
        tpu.vector_store %arg8[%swap3A_133, %swap3A_134], %gather3A {strides = array<i32>} : memref<8x4096xf32, #tpu.memory_space<vmem>>, vector<16xf32>,
        %add3A_136 = arith.constant 64 : i32
        %add3A_137 = vector.broadcast %add3A_136 : i32 to vector<16xi32>
        %add3A_138 = arith.addi %add3A_127, %add3A_137 : vector<16xi32>
        %gather3A_139 = tpu.vector_load_idx %arg5[%add3A_138] : memref<2048xf32, #tpu.memory_space<vmem>>[vector<16xi32>], vector<16xf32>,
        %mul3A_140 = arith.constant 16 : i32
        %mul3A_141 = arith.muli %scan3A_115, %mul3A_140 : i32
        %swap3A_142 = arith.constant 1 : i32
        %swap3A_143 = arith.index_cast %swap3A_142 : i32 to index
        %swap3A_144 = arith.index_cast %mul3A_141 : i32 to index
        %swap3A_145 = tpu.vector_load %arg8[%swap3A_143, %swap3A_144] {strides = array<i32>} : memref<8x4096xf32, #tpu.memory_space<vmem>>, vector<16xf32>,
        tpu.vector_store %arg8[%swap3A_143, %swap3A_144], %gather3A_139 {strides = array<i32>} : memref<8x4096xf32, #tpu.memory_space<vmem>>, vector<16xf32>,
        %add3A_146 = arith.constant 128 : i32
        %add3A_147 = vector.broadcast %add3A_146 : i32 to vector<16xi32>
        %add3A_148 = arith.addi %add3A_127, %add3A_147 : vector<16xi32>
        %gather3A_149 = tpu.vector_load_idx %arg5[%add3A_148] : memref<2048xf32, #tpu.memory_space<vmem>>[vector<16xi32>], vector<16xf32>,
        %mul3A_150 = arith.constant 16 : i32
        %mul3A_151 = arith.muli %scan3A_115, %mul3A_150 : i32
        %swap3A_152 = arith.constant 2 : i32
        %swap3A_153 = arith.index_cast %swap3A_152 : i32 to index
        %swap3A_154 = arith.index_cast %mul3A_151 : i32 to index
        %swap3A_155 = tpu.vector_load %arg8[%swap3A_153, %swap3A_154] {strides = array<i32>} : memref<8x4096xf32, #tpu.memory_space<vmem>>, vector<16xf32>,
        tpu.vector_store %arg8[%swap3A_153, %swap3A_154], %gather3A_149 {strides = array<i32>} : memref<8x4096xf32, #tpu.memory_space<vmem>>, vector<16xf32>,
        %add3A_156 = arith.constant 192 : i32
        %add3A_157 = vector.broadcast %add3A_156 : i32 to vector<16xi32>
        %add3A_158 = arith.addi %add3A_127, %add3A_157 : vector<16xi32>
        %gather3A_159 = tpu.vector_load_idx %arg5[%add3A_158] : memref<2048xf32, #tpu.memory_space<vmem>>[vector<16xi32>], vector<16xf32>,
        %mul3A_160 = arith.constant 16 : i32
        %mul3A_161 = arith.muli %scan3A_115, %mul3A_160 : i32
        %swap3A_162 = arith.constant 3 : i32
        %swap3A_163 = arith.index_cast %swap3A_162 : i32 to index
        %swap3A_164 = arith.index_cast %mul3A_161 : i32 to index
        %swap3A_165 = tpu.vector_load %arg8[%swap3A_163, %swap3A_164] {strides = array<i32>} : memref<8x4096xf32, #tpu.memory_space<vmem>>, vector<16xf32>,
        tpu.vector_store %arg8[%swap3A_163, %swap3A_164], %gather3A_159 {strides = array<i32>} : memref<8x4096xf32, #tpu.memory_space<vmem>>, vector<16xf32>,
        %add3A_166 = arith.constant 256 : i32
        %add3A_167 = vector.broadcast %add3A_166 : i32 to vector<16xi32>
        %add3A_168 = arith.addi %add3A_127, %add3A_167 : vector<16xi32>
        %gather3A_169 = tpu.vector_load_idx %arg5[%add3A_168] : memref<2048xf32, #tpu.memory_space<vmem>>[vector<16xi32>], vector<16xf32>,
        %mul3A_170 = arith.constant 16 : i32
        %mul3A_171 = arith.muli %scan3A_115, %mul3A_170 : i32
        %swap3A_172 = arith.constant 4 : i32
        %swap3A_173 = arith.index_cast %swap3A_172 : i32 to index
        %swap3A_174 = arith.index_cast %mul3A_171 : i32 to index
        %swap3A_175 = tpu.vector_load %arg8[%swap3A_173, %swap3A_174] {strides = array<i32>} : memref<8x4096xf32, #tpu.memory_space<vmem>>, vector<16xf32>,
        tpu.vector_store %arg8[%swap3A_173, %swap3A_174], %gather3A_169 {strides = array<i32>} : memref<8x4096xf32, #tpu.memory_space<vmem>>, vector<16xf32>,
        %add3A_176 = arith.constant 320 : i32
        %add3A_177 = vector.broadcast %add3A_176 : i32 to vector<16xi32>
        %add3A_178 = arith.addi %add3A_127, %add3A_177 : vector<16xi32>
        %gather3A_179 = tpu.vector_load_idx %arg5[%add3A_178] : memref<2048xf32, #tpu.memory_space<vmem>>[vector<16xi32>], vector<16xf32>,
        %mul3A_180 = arith.constant 16 : i32
        %mul3A_181 = arith.muli %scan3A_115, %mul3A_180 : i32
        %swap3A_182 = arith.constant 5 : i32
        %swap3A_183 = arith.index_cast %swap3A_182 : i32 to index
        %swap3A_184 = arith.index_cast %mul3A_181 : i32 to index
        %swap3A_185 = tpu.vector_load %arg8[%swap3A_183, %swap3A_184] {strides = array<i32>} : memref<8x4096xf32, #tpu.memory_space<vmem>>, vector<16xf32>,
        tpu.vector_store %arg8[%swap3A_183, %swap3A_184], %gather3A_179 {strides = array<i32>} : memref<8x4096xf32, #tpu.memory_space<vmem>>, vector<16xf32>,
        %add3A_186 = arith.constant 384 : i32
        %add3A_187 = vector.broadcast %add3A_186 : i32 to vector<16xi32>
        %add3A_188 = arith.addi %add3A_127, %add3A_187 : vector<16xi32>
        %gather3A_189 = tpu.vector_load_idx %arg5[%add3A_188] : memref<2048xf32, #tpu.memory_space<vmem>>[vector<16xi32>], vector<16xf32>,
        %mul3A_190 = arith.constant 16 : i32
        %mul3A_191 = arith.muli %scan3A_115, %mul3A_190 : i32
        %swap3A_192 = arith.constant 6 : i32
        %swap3A_193 = arith.index_cast %swap3A_192 : i32 to index
        %swap3A_194 = arith.index_cast %mul3A_191 : i32 to index
        %swap3A_195 = tpu.vector_load %arg8[%swap3A_193, %swap3A_194] {strides = array<i32>} : memref<8x4096xf32, #tpu.memory_space<vmem>>, vector<16xf32>,
        tpu.vector_store %arg8[%swap3A_193, %swap3A_194], %gather3A_189 {strides = array<i32>} : memref<8x4096xf32, #tpu.memory_space<vmem>>, vector<16xf32>,
        %add3A_196 = arith.constant 448 : i32
        %add3A_197 = vector.broadcast %add3A_196 : i32 to vector<16xi32>
        %add3A_198 = arith.addi %add3A_127, %add3A_197 : vector<16xi32>
        %gather3A_199 = tpu.vector_load_idx %arg5[%add3A_198] : memref<2048xf32, #tpu.memory_space<vmem>>[vector<16xi32>], vector<16xf32>,
        %mul3A_200 = arith.constant 16 : i32
        %mul3A_201 = arith.muli %scan3A_115, %mul3A_200 : i32
        %swap3A_202 = arith.constant 7 : i32
        %swap3A_203 = arith.index_cast %swap3A_202 : i32 to index
        %swap3A_204 = arith.index_cast %mul3A_201 : i32 to index
        %swap3A_205 = tpu.vector_load %arg8[%swap3A_203, %swap3A_204] {strides = array<i32>} : memref<8x4096xf32, #tpu.memory_space<vmem>>, vector<16xf32>,
        tpu.vector_store %arg8[%swap3A_203, %swap3A_204], %gather3A_199 {strides = array<i32>} : memref<8x4096xf32, #tpu.memory_space<vmem>>, vector<16xf32>,
        %scan3A_206 = arith.constant 1 : i32
        %scan3A_207 = arith.addi %scan3A_115, %scan3A_206 : i32
        %mul3A_208 = arith.constant 16 : i32
        %mul3A_209 = arith.muli %scan3A_207, %mul3A_208 : i32
        %get3A_210 = arith.index_cast %mul3A_209 : i32 to index
        %get3A_211 = tpu.vector_load %arg6[%get3A_210] {strides = array<i32>} : memref<4096xi32, #tpu.memory_space<vmem>>, vector<16xi32>,
        %lt3A_212 = arith.constant 0 : i32
        %lt3A_213 = vector.broadcast %lt3A_212 : i32 to vector<16xi32>
        %lt3A_214 = arith.cmpi slt, %get3A_211, %lt3A_213 : vector<16xi32>
        %min3A_215 = arith.constant 51 : i32
        %min3A_216 = vector.broadcast %min3A_215 : i32 to vector<16xi32>
        %min3A_217 = arith.minsi %get3A_211, %min3A_216 : vector<16xi32>
        %jit3A_218 = arith.constant 52 : i32
        %broadcast_in_dim3A_219 = vector.broadcast %jit3A_218 : i32 to vector<16xi32>
        %select_n3A_220 = arith.select %lt3A_214, %broadcast_in_dim3A_219, %min3A_217 : vector<16xi1>, vector<16xi32>
        %add3A_221 = vector.broadcast %mul3A_39 : i32 to vector<16xi32>
        %add3A_222 = arith.addi %select_n3A_220, %add3A_221 : vector<16xi32>
        %add3A_223 = arith.constant 0 : i32
        %add3A_224 = vector.broadcast %add3A_223 : i32 to vector<16xi32>
        %add3A_225 = arith.addi %add3A_222, %add3A_224 : vector<16xi32>
        %gather3A_226 = tpu.vector_load_idx %arg5[%add3A_225] : memref<2048xf32, #tpu.memory_space<vmem>>[vector<16xi32>], vector<16xf32>,
        %mul3A_227 = arith.constant 16 : i32
        %mul3A_228 = arith.muli %scan3A_207, %mul3A_227 : i32
        %swap3A_229 = arith.constant 0 : i32
        %swap3A_230 = arith.index_cast %swap3A_229 : i32 to index
        %swap3A_231 = arith.index_cast %mul3A_228 : i32 to index
        %swap3A_232 = tpu.vector_load %arg8[%swap3A_230, %swap3A_231] {strides = array<i32>} : memref<8x4096xf32, #tpu.memory_space<vmem>>, vector<16xf32>,
        tpu.vector_store %arg8[%swap3A_230, %swap3A_231], %gather3A_226 {strides = array<i32>} : memref<8x4096xf32, #tpu.memory_space<vmem>>, vector<16xf32>,
        %add3A_233 = arith.constant 64 : i32
        %add3A_234 = vector.broadcast %add3A_233 : i32 to vector<16xi32>
        %add3A_235 = arith.addi %add3A_222, %add3A_234 : vector<16xi32>
        %gather3A_236 = tpu.vector_load_idx %arg5[%add3A_235] : memref<2048xf32, #tpu.memory_space<vmem>>[vector<16xi32>], vector<16xf32>,
        %mul3A_237 = arith.constant 16 : i32
        %mul3A_238 = arith.muli %scan3A_207, %mul3A_237 : i32
        %swap3A_239 = arith.constant 1 : i32
        %swap3A_240 = arith.index_cast %swap3A_239 : i32 to index
        %swap3A_241 = arith.index_cast %mul3A_238 : i32 to index
        %swap3A_242 = tpu.vector_load %arg8[%swap3A_240, %swap3A_241] {strides = array<i32>} : memref<8x4096xf32, #tpu.memory_space<vmem>>, vector<16xf32>,
        tpu.vector_store %arg8[%swap3A_240, %swap3A_241], %gather3A_236 {strides = array<i32>} : memref<8x4096xf32, #tpu.memory_space<vmem>>, vector<16xf32>,
        %add3A_243 = arith.constant 128 : i32
        %add3A_244 = vector.broadcast %add3A_243 : i32 to vector<16xi32>
        %add3A_245 = arith.addi %add3A_222, %add3A_244 : vector<16xi32>
        %gather3A_246 = tpu.vector_load_idx %arg5[%add3A_245] : memref<2048xf32, #tpu.memory_space<vmem>>[vector<16xi32>], vector<16xf32>,
        %mul3A_247 = arith.constant 16 : i32
        %mul3A_248 = arith.muli %scan3A_207, %mul3A_247 : i32
        %swap3A_249 = arith.constant 2 : i32
        %swap3A_250 = arith.index_cast %swap3A_249 : i32 to index
        %swap3A_251 = arith.index_cast %mul3A_248 : i32 to index
        %swap3A_252 = tpu.vector_load %arg8[%swap3A_250, %swap3A_251] {strides = array<i32>} : memref<8x4096xf32, #tpu.memory_space<vmem>>, vector<16xf32>,
        tpu.vector_store %arg8[%swap3A_250, %swap3A_251], %gather3A_246 {strides = array<i32>} : memref<8x4096xf32, #tpu.memory_space<vmem>>, vector<16xf32>,
        %add3A_253 = arith.constant 192 : i32
        %add3A_254 = vector.broadcast %add3A_253 : i32 to vector<16xi32>
        %add3A_255 = arith.addi %add3A_222, %add3A_254 : vector<16xi32>
        %gather3A_256 = tpu.vector_load_idx %arg5[%add3A_255] : memref<2048xf32, #tpu.memory_space<vmem>>[vector<16xi32>], vector<16xf32>,
        %mul3A_257 = arith.constant 16 : i32
        %mul3A_258 = arith.muli %scan3A_207, %mul3A_257 : i32
        %swap3A_259 = arith.constant 3 : i32
        %swap3A_260 = arith.index_cast %swap3A_259 : i32 to index
        %swap3A_261 = arith.index_cast %mul3A_258 : i32 to index
        %swap3A_262 = tpu.vector_load %arg8[%swap3A_260, %swap3A_261] {strides = array<i32>} : memref<8x4096xf32, #tpu.memory_space<vmem>>, vector<16xf32>,
        tpu.vector_store %arg8[%swap3A_260, %swap3A_261], %gather3A_256 {strides = array<i32>} : memref<8x4096xf32, #tpu.memory_space<vmem>>, vector<16xf32>,
        %add3A_263 = arith.constant 256 : i32
        %add3A_264 = vector.broadcast %add3A_263 : i32 to vector<16xi32>
        %add3A_265 = arith.addi %add3A_222, %add3A_264 : vector<16xi32>
        %gather3A_266 = tpu.vector_load_idx %arg5[%add3A_265] : memref<2048xf32, #tpu.memory_space<vmem>>[vector<16xi32>], vector<16xf32>,
        %mul3A_267 = arith.constant 16 : i32
        %mul3A_268 = arith.muli %scan3A_207, %mul3A_267 : i32
        %swap3A_269 = arith.constant 4 : i32
        %swap3A_270 = arith.index_cast %swap3A_269 : i32 to index
        %swap3A_271 = arith.index_cast %mul3A_268 : i32 to index
        %swap3A_272 = tpu.vector_load %arg8[%swap3A_270, %swap3A_271] {strides = array<i32>} : memref<8x4096xf32, #tpu.memory_space<vmem>>, vector<16xf32>,
        tpu.vector_store %arg8[%swap3A_270, %swap3A_271], %gather3A_266 {strides = array<i32>} : memref<8x4096xf32, #tpu.memory_space<vmem>>, vector<16xf32>,
        %add3A_273 = arith.constant 320 : i32
        %add3A_274 = vector.broadcast %add3A_273 : i32 to vector<16xi32>
        %add3A_275 = arith.addi %add3A_222, %add3A_274 : vector<16xi32>
        %gather3A_276 = tpu.vector_load_idx %arg5[%add3A_275] : memref<2048xf32, #tpu.memory_space<vmem>>[vector<16xi32>], vector<16xf32>,
        %mul3A_277 = arith.constant 16 : i32
        %mul3A_278 = arith.muli %scan3A_207, %mul3A_277 : i32
        %swap3A_279 = arith.constant 5 : i32
        %swap3A_280 = arith.index_cast %swap3A_279 : i32 to index
        %swap3A_281 = arith.index_cast %mul3A_278 : i32 to index
        %swap3A_282 = tpu.vector_load %arg8[%swap3A_280, %swap3A_281] {strides = array<i32>} : memref<8x4096xf32, #tpu.memory_space<vmem>>, vector<16xf32>,
        tpu.vector_store %arg8[%swap3A_280, %swap3A_281], %gather3A_276 {strides = array<i32>} : memref<8x4096xf32, #tpu.memory_space<vmem>>, vector<16xf32>,
        %add3A_283 = arith.constant 384 : i32
        %add3A_284 = vector.broadcast %add3A_283 : i32 to vector<16xi32>
        %add3A_285 = arith.addi %add3A_222, %add3A_284 : vector<16xi32>
        %gather3A_286 = tpu.vector_load_idx %arg5[%add3A_285] : memref<2048xf32, #tpu.memory_space<vmem>>[vector<16xi32>], vector<16xf32>,
        %mul3A_287 = arith.constant 16 : i32
        %mul3A_288 = arith.muli %scan3A_207, %mul3A_287 : i32
        %swap3A_289 = arith.constant 6 : i32
        %swap3A_290 = arith.index_cast %swap3A_289 : i32 to index
        %swap3A_291 = arith.index_cast %mul3A_288 : i32 to index
        %swap3A_292 = tpu.vector_load %arg8[%swap3A_290, %swap3A_291] {strides = array<i32>} : memref<8x4096xf32, #tpu.memory_space<vmem>>, vector<16xf32>,
        tpu.vector_store %arg8[%swap3A_290, %swap3A_291], %gather3A_286 {strides = array<i32>} : memref<8x4096xf32, #tpu.memory_space<vmem>>, vector<16xf32>,
        %add3A_293 = arith.constant 448 : i32
        %add3A_294 = vector.broadcast %add3A_293 : i32 to vector<16xi32>
        %add3A_295 = arith.addi %add3A_222, %add3A_294 : vector<16xi32>
        %gather3A_296 = tpu.vector_load_idx %arg5[%add3A_295] : memref<2048xf32, #tpu.memory_space<vmem>>[vector<16xi32>], vector<16xf32>,
        %mul3A_297 = arith.constant 16 : i32
        %mul3A_298 = arith.muli %scan3A_207, %mul3A_297 : i32
        %swap3A_299 = arith.constant 7 : i32
        %swap3A_300 = arith.index_cast %swap3A_299 : i32 to index
        %swap3A_301 = arith.index_cast %mul3A_298 : i32 to index
        %swap3A_302 = tpu.vector_load %arg8[%swap3A_300, %swap3A_301] {strides = array<i32>} : memref<8x4096xf32, #tpu.memory_space<vmem>>, vector<16xf32>,
        tpu.vector_store %arg8[%swap3A_300, %swap3A_301], %gather3A_296 {strides = array<i32>} : memref<8x4096xf32, #tpu.memory_space<vmem>>, vector<16xf32>,
      }
      %scan3A_79 = arith.constant 256 : i32
      %mul3A_80 = arith.constant 4096 : i32
      %mul3A_81 = arith.muli %add3A_59, %mul3A_80 : i32
      %dma_start3A_82 = tpu.memref_slice %arg4[%add3A_35, %mul3A_81] : memref<256x262144xf32, #tpu.memory_space<hbm>> -> memref<8x4096xf32, #tpu.memory_space<hbm>>
      %dma_start3A_83 = tpu.memref_slice %arg4[%add3A_35, %mul3A_81] : memref<256x262144xf32, #tpu.memory_space<hbm>> -> memref<8x4096xf32, #tpu.memory_space<hbm>>
      tpu.enqueue_dma source(%arg8 : memref<8x4096xf32, #tpu.memory_space<vmem>>) target(%dma_start3A_83 : memref<8x4096xf32, #tpu.memory_space<hbm>>) target_semaphore(%arg11 : memref<!tpu.dma_semaphore, #tpu.memory_space<semaphore_mem>>)
      %mul3A_84 = arith.constant 2 : i32
      %mul3A_85 = arith.muli %mul3A_84, %scan3A_55 : i32
      %add3A_86 = arith.constant 1 : i32
      %add3A_87 = arith.addi %mul3A_85, %add3A_86 : i32
      %mul3A_88 = arith.constant 4096 : i32
      %mul3A_89 = arith.muli %add3A_87, %mul3A_88 : i32
      %add3A_90 = arith.addi %mul3A_37, %mul3A_89 : i32
      %dma_wait3A_91 = tpu.memref_slice %arg2[%add3A_90] : memref<2097152xi32, #tpu.memory_space<hbm>> -> memref<4096xi32, #tpu.memory_space<hbm>>
      %dma_wait3A_92 = tpu.memref_slice %arg2[%add3A_90] : memref<2097152xi32, #tpu.memory_space<hbm>> -> memref<4096xi32, #tpu.memory_space<hbm>>
      tpu.wait_dma2 semaphore(%arg10 : memref<!tpu.dma_semaphore, #tpu.memory_space<semaphore_mem>>) src(%dma_wait3A_92 : memref<4096xi32, #tpu.memory_space<hbm>>) dst(%arg7 : memref<4096xi32, #tpu.memory_space<vmem>>)
      %add3A_93 = arith.constant 1 : i32
      %add3A_94 = arith.addi %add3A_87, %add3A_93 : i32
      %lt3A_95 = arith.constant 64 : i32
      %lt3A_96 = arith.cmpi slt, %add3A_94, %lt3A_95 : i32
      %convert_element_type3A_97 = arith.extui %lt3A_96 : i1 to i32
      %cond3A_98 = arith.constant 0 : i32
      %cond3A_99 = arith.cmpi ne, %convert_element_type3A_97, %cond3A_98 : i32
      scf.if %cond3A_99 {
        %add3A_115 = arith.constant 1 : i32
        %add3A_116 = arith.addi %add3A_87, %add3A_115 : i32
        %mul3A_117 = arith.constant 4096 : i32
        %mul3A_118 = arith.muli %add3A_116, %mul3A_117 : i32
        %add3A_119 = arith.addi %mul3A_37, %mul3A_118 : i32
        %dma_start3A_120 = tpu.memref_slice %arg2[%add3A_119] : memref<2097152xi32, #tpu.memory_space<hbm>> -> memref<4096xi32, #tpu.memory_space<hbm>>
        %dma_start3A_121 = tpu.memref_slice %arg2[%add3A_119] : memref<2097152xi32, #tpu.memory_space<hbm>> -> memref<4096xi32, #tpu.memory_space<hbm>>
        tpu.enqueue_dma source(%dma_start3A_121 : memref<4096xi32, #tpu.memory_space<hbm>>) target(%arg6 : memref<4096xi32, #tpu.memory_space<vmem>>) target_semaphore(%arg10 : memref<!tpu.dma_semaphore, #tpu.memory_space<semaphore_mem>>)
      } else {
      }
      %ge3A_100 = arith.constant 2 : i32
      %ge3A_101 = arith.cmpi sge, %add3A_87, %ge3A_100 : i32
      %convert_element_type3A_102 = arith.extui %ge3A_101 : i1 to i32
      %cond3A_103 = arith.constant 0 : i32
      %cond3A_104 = arith.cmpi ne, %convert_element_type3A_102, %cond3A_103 : i32
      scf.if %cond3A_104 {
        %sub3A_115 = arith.constant 2 : i32
        %sub3A_116 = arith.subi %add3A_87, %sub3A_115 : i32
        %mul3A_117 = arith.constant 4096 : i32
        %mul3A_118 = arith.muli %sub3A_116, %mul3A_117 : i32
        %dma_wait3A_119 = tpu.memref_slice %arg4[%add3A_35, %mul3A_118] : memref<256x262144xf32, #tpu.memory_space<hbm>> -> memref<8x4096xf32, #tpu.memory_space<hbm>>
        %dma_wait3A_120 = tpu.memref_slice %arg4[%add3A_35, %mul3A_118] : memref<256x262144xf32, #tpu.memory_space<hbm>> -> memref<8x4096xf32, #tpu.memory_space<hbm>>
        tpu.wait_dma2 semaphore(%arg11 : memref<!tpu.dma_semaphore, #tpu.memory_space<semaphore_mem>>) src(%arg9 : memref<8x4096xf32, #tpu.memory_space<vmem>>) dst(%dma_wait3A_120 : memref<8x4096xf32, #tpu.memory_space<hbm>>)
      } else {
      }
      %scan3A_105 = arith.constant 0 : i32
      %scan3A_106 = arith.constant 0 : i32
      %scan3A_107 = arith.constant 256 : i32
      %scan3A_108 = arith.addi %scan3A_106, %scan3A_107 : i32
      %scan3A_109 = arith.constant 2 : i32
      scf.for %scan3A_115 = %scan3A_106 to %scan3A_108 step %scan3A_109  : i32 {
        %mul3A_116 = arith.constant 16 : i32
        %mul3A_117 = arith.muli %scan3A_115, %mul3A_116 : i32
        %get3A = arith.index_cast %mul3A_117 : i32 to index
        %get3A_118 = tpu.vector_load %arg7[%get3A] {strides = array<i32>} : memref<4096xi32, #tpu.memory_space<vmem>>, vector<16xi32>,
        %lt3A_119 = arith.constant 0 : i32
        %lt3A_120 = vector.broadcast %lt3A_119 : i32 to vector<16xi32>
        %lt3A_121 = arith.cmpi slt, %get3A_118, %lt3A_120 : vector<16xi32>
        %min3A = arith.constant 51 : i32
        %min3A_122 = vector.broadcast %min3A : i32 to vector<16xi32>
        %min3A_123 = arith.minsi %get3A_118, %min3A_122 : vector<16xi32>
        %jit3A_124 = arith.constant 52 : i32
        %broadcast_in_dim3A = vector.broadcast %jit3A_124 : i32 to vector<16xi32>
        %select_n3A_125 = arith.select %lt3A_121, %broadcast_in_dim3A, %min3A_123 : vector<16xi1>, vector<16xi32>
        %add3A_126 = vector.broadcast %mul3A_39 : i32 to vector<16xi32>
        %add3A_127 = arith.addi %select_n3A_125, %add3A_126 : vector<16xi32>
        %add3A_128 = arith.constant 0 : i32
        %add3A_129 = vector.broadcast %add3A_128 : i32 to vector<16xi32>
        %add3A_130 = arith.addi %add3A_127, %add3A_129 : vector<16xi32>
        %gather3A = tpu.vector_load_idx %arg5[%add3A_130] : memref<2048xf32, #tpu.memory_space<vmem>>[vector<16xi32>], vector<16xf32>,
        %mul3A_131 = arith.constant 16 : i32
        %mul3A_132 = arith.muli %scan3A_115, %mul3A_131 : i32
        %swap3A = arith.constant 0 : i32
        %swap3A_133 = arith.index_cast %swap3A : i32 to index
        %swap3A_134 = arith.index_cast %mul3A_132 : i32 to index
        %swap3A_135 = tpu.vector_load %arg9[%swap3A_133, %swap3A_134] {strides = array<i32>} : memref<8x4096xf32, #tpu.memory_space<vmem>>, vector<16xf32>,
        tpu.vector_store %arg9[%swap3A_133, %swap3A_134], %gather3A {strides = array<i32>} : memref<8x4096xf32, #tpu.memory_space<vmem>>, vector<16xf32>,
        %add3A_136 = arith.constant 64 : i32
        %add3A_137 = vector.broadcast %add3A_136 : i32 to vector<16xi32>
        %add3A_138 = arith.addi %add3A_127, %add3A_137 : vector<16xi32>
        %gather3A_139 = tpu.vector_load_idx %arg5[%add3A_138] : memref<2048xf32, #tpu.memory_space<vmem>>[vector<16xi32>], vector<16xf32>,
        %mul3A_140 = arith.constant 16 : i32
        %mul3A_141 = arith.muli %scan3A_115, %mul3A_140 : i32
        %swap3A_142 = arith.constant 1 : i32
        %swap3A_143 = arith.index_cast %swap3A_142 : i32 to index
        %swap3A_144 = arith.index_cast %mul3A_141 : i32 to index
        %swap3A_145 = tpu.vector_load %arg9[%swap3A_143, %swap3A_144] {strides = array<i32>} : memref<8x4096xf32, #tpu.memory_space<vmem>>, vector<16xf32>,
        tpu.vector_store %arg9[%swap3A_143, %swap3A_144], %gather3A_139 {strides = array<i32>} : memref<8x4096xf32, #tpu.memory_space<vmem>>, vector<16xf32>,
        %add3A_146 = arith.constant 128 : i32
        %add3A_147 = vector.broadcast %add3A_146 : i32 to vector<16xi32>
        %add3A_148 = arith.addi %add3A_127, %add3A_147 : vector<16xi32>
        %gather3A_149 = tpu.vector_load_idx %arg5[%add3A_148] : memref<2048xf32, #tpu.memory_space<vmem>>[vector<16xi32>], vector<16xf32>,
        %mul3A_150 = arith.constant 16 : i32
        %mul3A_151 = arith.muli %scan3A_115, %mul3A_150 : i32
        %swap3A_152 = arith.constant 2 : i32
        %swap3A_153 = arith.index_cast %swap3A_152 : i32 to index
        %swap3A_154 = arith.index_cast %mul3A_151 : i32 to index
        %swap3A_155 = tpu.vector_load %arg9[%swap3A_153, %swap3A_154] {strides = array<i32>} : memref<8x4096xf32, #tpu.memory_space<vmem>>, vector<16xf32>,
        tpu.vector_store %arg9[%swap3A_153, %swap3A_154], %gather3A_149 {strides = array<i32>} : memref<8x4096xf32, #tpu.memory_space<vmem>>, vector<16xf32>,
        %add3A_156 = arith.constant 192 : i32
        %add3A_157 = vector.broadcast %add3A_156 : i32 to vector<16xi32>
        %add3A_158 = arith.addi %add3A_127, %add3A_157 : vector<16xi32>
        %gather3A_159 = tpu.vector_load_idx %arg5[%add3A_158] : memref<2048xf32, #tpu.memory_space<vmem>>[vector<16xi32>], vector<16xf32>,
        %mul3A_160 = arith.constant 16 : i32
        %mul3A_161 = arith.muli %scan3A_115, %mul3A_160 : i32
        %swap3A_162 = arith.constant 3 : i32
        %swap3A_163 = arith.index_cast %swap3A_162 : i32 to index
        %swap3A_164 = arith.index_cast %mul3A_161 : i32 to index
        %swap3A_165 = tpu.vector_load %arg9[%swap3A_163, %swap3A_164] {strides = array<i32>} : memref<8x4096xf32, #tpu.memory_space<vmem>>, vector<16xf32>,
        tpu.vector_store %arg9[%swap3A_163, %swap3A_164], %gather3A_159 {strides = array<i32>} : memref<8x4096xf32, #tpu.memory_space<vmem>>, vector<16xf32>,
        %add3A_166 = arith.constant 256 : i32
        %add3A_167 = vector.broadcast %add3A_166 : i32 to vector<16xi32>
        %add3A_168 = arith.addi %add3A_127, %add3A_167 : vector<16xi32>
        %gather3A_169 = tpu.vector_load_idx %arg5[%add3A_168] : memref<2048xf32, #tpu.memory_space<vmem>>[vector<16xi32>], vector<16xf32>,
        %mul3A_170 = arith.constant 16 : i32
        %mul3A_171 = arith.muli %scan3A_115, %mul3A_170 : i32
        %swap3A_172 = arith.constant 4 : i32
        %swap3A_173 = arith.index_cast %swap3A_172 : i32 to index
        %swap3A_174 = arith.index_cast %mul3A_171 : i32 to index
        %swap3A_175 = tpu.vector_load %arg9[%swap3A_173, %swap3A_174] {strides = array<i32>} : memref<8x4096xf32, #tpu.memory_space<vmem>>, vector<16xf32>,
        tpu.vector_store %arg9[%swap3A_173, %swap3A_174], %gather3A_169 {strides = array<i32>} : memref<8x4096xf32, #tpu.memory_space<vmem>>, vector<16xf32>,
        %add3A_176 = arith.constant 320 : i32
        %add3A_177 = vector.broadcast %add3A_176 : i32 to vector<16xi32>
        %add3A_178 = arith.addi %add3A_127, %add3A_177 : vector<16xi32>
        %gather3A_179 = tpu.vector_load_idx %arg5[%add3A_178] : memref<2048xf32, #tpu.memory_space<vmem>>[vector<16xi32>], vector<16xf32>,
        %mul3A_180 = arith.constant 16 : i32
        %mul3A_181 = arith.muli %scan3A_115, %mul3A_180 : i32
        %swap3A_182 = arith.constant 5 : i32
        %swap3A_183 = arith.index_cast %swap3A_182 : i32 to index
        %swap3A_184 = arith.index_cast %mul3A_181 : i32 to index
        %swap3A_185 = tpu.vector_load %arg9[%swap3A_183, %swap3A_184] {strides = array<i32>} : memref<8x4096xf32, #tpu.memory_space<vmem>>, vector<16xf32>,
        tpu.vector_store %arg9[%swap3A_183, %swap3A_184], %gather3A_179 {strides = array<i32>} : memref<8x4096xf32, #tpu.memory_space<vmem>>, vector<16xf32>,
        %add3A_186 = arith.constant 384 : i32
        %add3A_187 = vector.broadcast %add3A_186 : i32 to vector<16xi32>
        %add3A_188 = arith.addi %add3A_127, %add3A_187 : vector<16xi32>
        %gather3A_189 = tpu.vector_load_idx %arg5[%add3A_188] : memref<2048xf32, #tpu.memory_space<vmem>>[vector<16xi32>], vector<16xf32>,
        %mul3A_190 = arith.constant 16 : i32
        %mul3A_191 = arith.muli %scan3A_115, %mul3A_190 : i32
        %swap3A_192 = arith.constant 6 : i32
        %swap3A_193 = arith.index_cast %swap3A_192 : i32 to index
        %swap3A_194 = arith.index_cast %mul3A_191 : i32 to index
        %swap3A_195 = tpu.vector_load %arg9[%swap3A_193, %swap3A_194] {strides = array<i32>} : memref<8x4096xf32, #tpu.memory_space<vmem>>, vector<16xf32>,
        tpu.vector_store %arg9[%swap3A_193, %swap3A_194], %gather3A_189 {strides = array<i32>} : memref<8x4096xf32, #tpu.memory_space<vmem>>, vector<16xf32>,
        %add3A_196 = arith.constant 448 : i32
        %add3A_197 = vector.broadcast %add3A_196 : i32 to vector<16xi32>
        %add3A_198 = arith.addi %add3A_127, %add3A_197 : vector<16xi32>
        %gather3A_199 = tpu.vector_load_idx %arg5[%add3A_198] : memref<2048xf32, #tpu.memory_space<vmem>>[vector<16xi32>], vector<16xf32>,
        %mul3A_200 = arith.constant 16 : i32
        %mul3A_201 = arith.muli %scan3A_115, %mul3A_200 : i32
        %swap3A_202 = arith.constant 7 : i32
        %swap3A_203 = arith.index_cast %swap3A_202 : i32 to index
        %swap3A_204 = arith.index_cast %mul3A_201 : i32 to index
        %swap3A_205 = tpu.vector_load %arg9[%swap3A_203, %swap3A_204] {strides = array<i32>} : memref<8x4096xf32, #tpu.memory_space<vmem>>, vector<16xf32>,
        tpu.vector_store %arg9[%swap3A_203, %swap3A_204], %gather3A_199 {strides = array<i32>} : memref<8x4096xf32, #tpu.memory_space<vmem>>, vector<16xf32>,
        %scan3A_206 = arith.constant 1 : i32
        %scan3A_207 = arith.addi %scan3A_115, %scan3A_206 : i32
        %mul3A_208 = arith.constant 16 : i32
        %mul3A_209 = arith.muli %scan3A_207, %mul3A_208 : i32
        %get3A_210 = arith.index_cast %mul3A_209 : i32 to index
        %get3A_211 = tpu.vector_load %arg7[%get3A_210] {strides = array<i32>} : memref<4096xi32, #tpu.memory_space<vmem>>, vector<16xi32>,
        %lt3A_212 = arith.constant 0 : i32
        %lt3A_213 = vector.broadcast %lt3A_212 : i32 to vector<16xi32>
        %lt3A_214 = arith.cmpi slt, %get3A_211, %lt3A_213 : vector<16xi32>
        %min3A_215 = arith.constant 51 : i32
        %min3A_216 = vector.broadcast %min3A_215 : i32 to vector<16xi32>
        %min3A_217 = arith.minsi %get3A_211, %min3A_216 : vector<16xi32>
        %jit3A_218 = arith.constant 52 : i32
        %broadcast_in_dim3A_219 = vector.broadcast %jit3A_218 : i32 to vector<16xi32>
        %select_n3A_220 = arith.select %lt3A_214, %broadcast_in_dim3A_219, %min3A_217 : vector<16xi1>, vector<16xi32>
        %add3A_221 = vector.broadcast %mul3A_39 : i32 to vector<16xi32>
        %add3A_222 = arith.addi %select_n3A_220, %add3A_221 : vector<16xi32>
        %add3A_223 = arith.constant 0 : i32
        %add3A_224 = vector.broadcast %add3A_223 : i32 to vector<16xi32>
        %add3A_225 = arith.addi %add3A_222, %add3A_224 : vector<16xi32>
        %gather3A_226 = tpu.vector_load_idx %arg5[%add3A_225] : memref<2048xf32, #tpu.memory_space<vmem>>[vector<16xi32>], vector<16xf32>,
        %mul3A_227 = arith.constant 16 : i32
        %mul3A_228 = arith.muli %scan3A_207, %mul3A_227 : i32
        %swap3A_229 = arith.constant 0 : i32
        %swap3A_230 = arith.index_cast %swap3A_229 : i32 to index
        %swap3A_231 = arith.index_cast %mul3A_228 : i32 to index
        %swap3A_232 = tpu.vector_load %arg9[%swap3A_230, %swap3A_231] {strides = array<i32>} : memref<8x4096xf32, #tpu.memory_space<vmem>>, vector<16xf32>,
        tpu.vector_store %arg9[%swap3A_230, %swap3A_231], %gather3A_226 {strides = array<i32>} : memref<8x4096xf32, #tpu.memory_space<vmem>>, vector<16xf32>,
        %add3A_233 = arith.constant 64 : i32
        %add3A_234 = vector.broadcast %add3A_233 : i32 to vector<16xi32>
        %add3A_235 = arith.addi %add3A_222, %add3A_234 : vector<16xi32>
        %gather3A_236 = tpu.vector_load_idx %arg5[%add3A_235] : memref<2048xf32, #tpu.memory_space<vmem>>[vector<16xi32>], vector<16xf32>,
        %mul3A_237 = arith.constant 16 : i32
        %mul3A_238 = arith.muli %scan3A_207, %mul3A_237 : i32
        %swap3A_239 = arith.constant 1 : i32
        %swap3A_240 = arith.index_cast %swap3A_239 : i32 to index
        %swap3A_241 = arith.index_cast %mul3A_238 : i32 to index
        %swap3A_242 = tpu.vector_load %arg9[%swap3A_240, %swap3A_241] {strides = array<i32>} : memref<8x4096xf32, #tpu.memory_space<vmem>>, vector<16xf32>,
        tpu.vector_store %arg9[%swap3A_240, %swap3A_241], %gather3A_236 {strides = array<i32>} : memref<8x4096xf32, #tpu.memory_space<vmem>>, vector<16xf32>,
        %add3A_243 = arith.constant 128 : i32
        %add3A_244 = vector.broadcast %add3A_243 : i32 to vector<16xi32>
        %add3A_245 = arith.addi %add3A_222, %add3A_244 : vector<16xi32>
        %gather3A_246 = tpu.vector_load_idx %arg5[%add3A_245] : memref<2048xf32, #tpu.memory_space<vmem>>[vector<16xi32>], vector<16xf32>,
        %mul3A_247 = arith.constant 16 : i32
        %mul3A_248 = arith.muli %scan3A_207, %mul3A_247 : i32
        %swap3A_249 = arith.constant 2 : i32
        %swap3A_250 = arith.index_cast %swap3A_249 : i32 to index
        %swap3A_251 = arith.index_cast %mul3A_248 : i32 to index
        %swap3A_252 = tpu.vector_load %arg9[%swap3A_250, %swap3A_251] {strides = array<i32>} : memref<8x4096xf32, #tpu.memory_space<vmem>>, vector<16xf32>,
        tpu.vector_store %arg9[%swap3A_250, %swap3A_251], %gather3A_246 {strides = array<i32>} : memref<8x4096xf32, #tpu.memory_space<vmem>>, vector<16xf32>,
        %add3A_253 = arith.constant 192 : i32
        %add3A_254 = vector.broadcast %add3A_253 : i32 to vector<16xi32>
        %add3A_255 = arith.addi %add3A_222, %add3A_254 : vector<16xi32>
        %gather3A_256 = tpu.vector_load_idx %arg5[%add3A_255] : memref<2048xf32, #tpu.memory_space<vmem>>[vector<16xi32>], vector<16xf32>,
        %mul3A_257 = arith.constant 16 : i32
        %mul3A_258 = arith.muli %scan3A_207, %mul3A_257 : i32
        %swap3A_259 = arith.constant 3 : i32
        %swap3A_260 = arith.index_cast %swap3A_259 : i32 to index
        %swap3A_261 = arith.index_cast %mul3A_258 : i32 to index
        %swap3A_262 = tpu.vector_load %arg9[%swap3A_260, %swap3A_261] {strides = array<i32>} : memref<8x4096xf32, #tpu.memory_space<vmem>>, vector<16xf32>,
        tpu.vector_store %arg9[%swap3A_260, %swap3A_261], %gather3A_256 {strides = array<i32>} : memref<8x4096xf32, #tpu.memory_space<vmem>>, vector<16xf32>,
        %add3A_263 = arith.constant 256 : i32
        %add3A_264 = vector.broadcast %add3A_263 : i32 to vector<16xi32>
        %add3A_265 = arith.addi %add3A_222, %add3A_264 : vector<16xi32>
        %gather3A_266 = tpu.vector_load_idx %arg5[%add3A_265] : memref<2048xf32, #tpu.memory_space<vmem>>[vector<16xi32>], vector<16xf32>,
        %mul3A_267 = arith.constant 16 : i32
        %mul3A_268 = arith.muli %scan3A_207, %mul3A_267 : i32
        %swap3A_269 = arith.constant 4 : i32
        %swap3A_270 = arith.index_cast %swap3A_269 : i32 to index
        %swap3A_271 = arith.index_cast %mul3A_268 : i32 to index
        %swap3A_272 = tpu.vector_load %arg9[%swap3A_270, %swap3A_271] {strides = array<i32>} : memref<8x4096xf32, #tpu.memory_space<vmem>>, vector<16xf32>,
        tpu.vector_store %arg9[%swap3A_270, %swap3A_271], %gather3A_266 {strides = array<i32>} : memref<8x4096xf32, #tpu.memory_space<vmem>>, vector<16xf32>,
        %add3A_273 = arith.constant 320 : i32
        %add3A_274 = vector.broadcast %add3A_273 : i32 to vector<16xi32>
        %add3A_275 = arith.addi %add3A_222, %add3A_274 : vector<16xi32>
        %gather3A_276 = tpu.vector_load_idx %arg5[%add3A_275] : memref<2048xf32, #tpu.memory_space<vmem>>[vector<16xi32>], vector<16xf32>,
        %mul3A_277 = arith.constant 16 : i32
        %mul3A_278 = arith.muli %scan3A_207, %mul3A_277 : i32
        %swap3A_279 = arith.constant 5 : i32
        %swap3A_280 = arith.index_cast %swap3A_279 : i32 to index
        %swap3A_281 = arith.index_cast %mul3A_278 : i32 to index
        %swap3A_282 = tpu.vector_load %arg9[%swap3A_280, %swap3A_281] {strides = array<i32>} : memref<8x4096xf32, #tpu.memory_space<vmem>>, vector<16xf32>,
        tpu.vector_store %arg9[%swap3A_280, %swap3A_281], %gather3A_276 {strides = array<i32>} : memref<8x4096xf32, #tpu.memory_space<vmem>>, vector<16xf32>,
        %add3A_283 = arith.constant 384 : i32
        %add3A_284 = vector.broadcast %add3A_283 : i32 to vector<16xi32>
        %add3A_285 = arith.addi %add3A_222, %add3A_284 : vector<16xi32>
        %gather3A_286 = tpu.vector_load_idx %arg5[%add3A_285] : memref<2048xf32, #tpu.memory_space<vmem>>[vector<16xi32>], vector<16xf32>,
        %mul3A_287 = arith.constant 16 : i32
        %mul3A_288 = arith.muli %scan3A_207, %mul3A_287 : i32
        %swap3A_289 = arith.constant 6 : i32
        %swap3A_290 = arith.index_cast %swap3A_289 : i32 to index
        %swap3A_291 = arith.index_cast %mul3A_288 : i32 to index
        %swap3A_292 = tpu.vector_load %arg9[%swap3A_290, %swap3A_291] {strides = array<i32>} : memref<8x4096xf32, #tpu.memory_space<vmem>>, vector<16xf32>,
        tpu.vector_store %arg9[%swap3A_290, %swap3A_291], %gather3A_286 {strides = array<i32>} : memref<8x4096xf32, #tpu.memory_space<vmem>>, vector<16xf32>,
        %add3A_293 = arith.constant 448 : i32
        %add3A_294 = vector.broadcast %add3A_293 : i32 to vector<16xi32>
        %add3A_295 = arith.addi %add3A_222, %add3A_294 : vector<16xi32>
        %gather3A_296 = tpu.vector_load_idx %arg5[%add3A_295] : memref<2048xf32, #tpu.memory_space<vmem>>[vector<16xi32>], vector<16xf32>,
        %mul3A_297 = arith.constant 16 : i32
        %mul3A_298 = arith.muli %scan3A_207, %mul3A_297 : i32
        %swap3A_299 = arith.constant 7 : i32
        %swap3A_300 = arith.index_cast %swap3A_299 : i32 to index
        %swap3A_301 = arith.index_cast %mul3A_298 : i32 to index
        %swap3A_302 = tpu.vector_load %arg9[%swap3A_300, %swap3A_301] {strides = array<i32>} : memref<8x4096xf32, #tpu.memory_space<vmem>>, vector<16xf32>,
        tpu.vector_store %arg9[%swap3A_300, %swap3A_301], %gather3A_296 {strides = array<i32>} : memref<8x4096xf32, #tpu.memory_space<vmem>>, vector<16xf32>,
      }
      %scan3A_110 = arith.constant 256 : i32
      %mul3A_111 = arith.constant 4096 : i32
      %mul3A_112 = arith.muli %add3A_87, %mul3A_111 : i32
      %dma_start3A_113 = tpu.memref_slice %arg4[%add3A_35, %mul3A_112] : memref<256x262144xf32, #tpu.memory_space<hbm>> -> memref<8x4096xf32, #tpu.memory_space<hbm>>
      %dma_start3A_114 = tpu.memref_slice %arg4[%add3A_35, %mul3A_112] : memref<256x262144xf32, #tpu.memory_space<hbm>> -> memref<8x4096xf32, #tpu.memory_space<hbm>>
      tpu.enqueue_dma source(%arg9 : memref<8x4096xf32, #tpu.memory_space<vmem>>) target(%dma_start3A_114 : memref<8x4096xf32, #tpu.memory_space<hbm>>) target_semaphore(%arg11 : memref<!tpu.dma_semaphore, #tpu.memory_space<semaphore_mem>>)
    }
    %scan3A_47 = arith.constant 32 : i32
    %dma_wait3A = arith.constant 253952 : i32
    %dma_wait3A_48 = tpu.memref_slice %arg4[%add3A_35, %dma_wait3A] : memref<256x262144xf32, #tpu.memory_space<hbm>> -> memref<8x4096xf32, #tpu.memory_space<hbm>>
    %dma_wait3A_49 = arith.constant 253952 : i32
    %dma_wait3A_50 = tpu.memref_slice %arg4[%add3A_35, %dma_wait3A_49] : memref<256x262144xf32, #tpu.memory_space<hbm>> -> memref<8x4096xf32, #tpu.memory_space<hbm>>
    tpu.wait_dma2 semaphore(%arg11 : memref<!tpu.dma_semaphore, #tpu.memory_space<semaphore_mem>>) src(%arg8 : memref<8x4096xf32, #tpu.memory_space<vmem>>) dst(%dma_wait3A_50 : memref<8x4096xf32, #tpu.memory_space<hbm>>)
    %dma_wait3A_51 = arith.constant 258048 : i32
    %dma_wait3A_52 = tpu.memref_slice %arg4[%add3A_35, %dma_wait3A_51] : memref<256x262144xf32, #tpu.memory_space<hbm>> -> memref<8x4096xf32, #tpu.memory_space<hbm>>
    %dma_wait3A_53 = arith.constant 258048 : i32
    %dma_wait3A_54 = tpu.memref_slice %arg4[%add3A_35, %dma_wait3A_53] : memref<256x262144xf32, #tpu.memory_space<hbm>> -> memref<8x4096xf32, #tpu.memory_space<hbm>>
    tpu.wait_dma2 semaphore(%arg11 : memref<!tpu.dma_semaphore, #tpu.memory_space<semaphore_mem>>) src(%arg9 : memref<8x4096xf32, #tpu.memory_space<vmem>>) dst(%dma_wait3A_54 : memref<8x4096xf32, #tpu.memory_space<hbm>>)
    return
  }
}

</mosaic_0001>

<sc_bundles>
// kernel: kernel.3.cloned.1.call-start
scs
__scs_entry_jumppad:
0x0: {  	(pc) =	sbr.rel $0x88, $3  }
0x1: {  	(tag) =	ssettag $0x0;
	lr =	simm.s32 $0x1  }
0x2: {  	[smem:$0x3F9F] =	sst lr;
	_ =	strace $0xD0000000  }
0x3: {  	_ = 	snop  }
0x4: {  	_ = 	snop  }
0x5: {  	_ = 	snop  }
0x6: {  	_ = 	snop  }
0x7: {  	_ = 	snop  }
__scs_overlays_trampoline_lowered:
0x8: {  	[smem:$0x3FAE] =	sst s0  }
0x9: {  	[smem:$0x3FAF] =	sst s1  }
0xa: {  	[smem:$0x3FB0] =	sst s2  }
0xb: {  	[smem:$0x3FB1] =	sst s3  }
0xc: {  	[smem:$0x3FB2] =	sst s4  }
0xd: {  	[smem:$0x3FB3] =	sst s5  }
0xe: {  	[smem:$0x3FB4] =	sst s6  }
0xf: {  	[smem:$0x3FB5] =	sst s7  }
0x10: {  	[smem:$0x3FB6] =	sst s8  }
0x11: {  	[smem:$0x3FB7] =	sst s9;
	s0 =	simm.s32 @!p0 $0x0  }
0x12: {  	s1 =	sld [smem:$0x3F9D];
	s0 =	simm.s32 @p0 $0x1  }
0x13: {  	[smem:$0x3FB8] =	sst s0;
	s0 =	simm.s32 @!p1 $0x0  }
0x14: {  	s2 =	sld [smem:$0x3F9C];
	s0 =	simm.s32 @p1 $0x1  }
0x15: {  	[smem:$0x3FB9] =	sst s0;
	s0 =	simm.s32 @!p2 $0x0  }
0x16: {  	s3 =	sld [smem:$0x3FDB];
	s0 =	simm.s32 @p2 $0x1  }
0x17: {  	s4 =	simm.s32 $0x1BF5;
	[smem:$0x3FBB] =	sst s0  }
0x18: {  	s0 =	sld [smem:$0x3F9E];
	_ =	swait.ge [sflag:s4], $0x0  }
0x19: {  	s7 =	sld [smem:$0x3F9F]  }
0x1a: {  	s8 =	sadd.s32 $0xFFFFE003, lr  }
0x1b: {  	s9 =	sadd.s32 $0xFFFFFEF7, lr;
	s5 =	simm.s32 $0xFFFFFFFF;
	p2 =	slt.u32 s8, $0xFFFFF086  }
0x1c: {  	p1 =	slt.u32 s9, $0xF7A;
	s5 =	simm.s32 @!p2 $0x0  }
0x1d: {  	s5 =	simm.s32 @p1 $0x1;
	p0 =	seq.s32 s7, s2  }
0x1e: {  	s7 =	smul.u32 @!p0 $0xF7A, s2;
	p2 =	seq.s32 @!p0 s5, $0x0  }
0x1f: {  	s9 =	smul.u32 $0xF7A, s1;
	s8 =	simm.s32 @!p0 $0x1BF5;
	p2 =	por !p2, p0  }
0x20: {  	[sflag:s8] =	ssyncset.s32 @!p0 $0xFFFFF086;
	s6 =	sadd.s32 @!p0 s3, s7;
	s7 =	simm.s32 @!p0 $0x108  }
0x21: {  	s3 =	sadd.s32 s3, s9;
	s6 =	sadd.s32 @!p0 $0x88, s6;
	s7 =	simm.s32 @p2 $0x1082  }
0x22: {  	[simem:s7], [sflag:s8] =	dma.local @!p0 [hbm:s6], $0xF7A  }
0x23: {  	s9 =	sor.u32 $0xD0000000, s2;
	s6 =	simm.s32 $0x108;
	_ =	swait.ge @!p0 [sflag:s8], $0x0  }
0x24: {  	s3 =	sadd.s32 $0x88, s3;
	s6 =	simm.s32 @!p1 $0x1082;
	[sflag:s4] =	ssyncset.s32 $0xFFFFF086  }
0x25: {  	[simem:s6], [sflag:s4] =	dma.local [hbm:s3], $0xF7A  }
0x26: {  	[smem:$0x3F9F] =	sst s1;
	(tag) =	ssettag s2;
	_ =	strace s9  }
0x27: {  	s1 =	sld [smem:$0x3FAF]  }
0x28: {  	s2 =	sld [smem:$0x3FB0]  }
0x29: {  	s4 =	sld [smem:$0x3FB2]  }
0x2a: {  	p0 =	seq.s32 s5, $0x0;
	s5 =	sld [smem:$0x3FB3]  }
0x2b: {  	s6 =	sld [smem:$0x3FB4]  }
0x2c: {  	s7 =	sld [smem:$0x3FB5]  }
0x2d: {  	s3 =	simm.s32 $0x108;
	s8 =	sld [smem:$0x3FB6]  }
0x2e: {  	s3 =	simm.s32 @!p0 $0x1082;
	s9 =	sld [smem:$0x3FB7]  }
0x2f: {  	lr =	sadd.s32 s0, s3;
	s0 =	sld [smem:$0x3FAE]  }
0x30: {  	s3 =	sld [smem:$0x3FB1]  }
0x31: {  	[smem:$0x3FBA] =	sst s10  }
0x32: {  	s10 =	sld [smem:$0x3FB8];
	_ =	sdelay $0x3  }
0x33: {  	p0 =	seq.s32 s10, $0x1;
	s10 =	sld [smem:$0x3FBA];
	_ =	sdelay $0x3  }
0x34: {  	[smem:$0x3FBA] =	sst s10  }
0x35: {  	s10 =	sld [smem:$0x3FB9];
	_ =	sdelay $0x3  }
0x36: {  	p1 =	seq.s32 s10, $0x1;
	s10 =	sld [smem:$0x3FBA];
	_ =	sdelay $0x3  }
0x37: {  	[smem:$0x3FBA] =	sst s10  }
0x38: {  	s10 =	sld [smem:$0x3FBB]  }
0x39: {  	_ = 	snop;
	(pc) =	sbr.ind lr, $3  }
0x3a: {  	_ = 	snop  }
0x3b: {  	_ = 	snop  }
0x3c: {  	p2 =	seq.s32 s10, $0x1;
	s10 =	sld [smem:$0x3FBA]  }
0x3d: {  	_ =	shalt  }
0x3e: {  	_ =	shalt  }
0x3f: {  	_ =	shalt  }
0x40: {  	_ =	shalt  }
0x41: {  	_ =	shalt  }
0x42: {  	_ =	shalt  }
0x43: {  	_ =	shalt  }
0x44: {  	_ =	shalt  }
0x45: {  	_ =	shalt  }
0x46: {  	_ =	shalt  }
0x47: {  	_ =	shalt  }
0x48: {  	_ =	shalt  }
0x49: {  	_ =	shalt  }
0x4a: {  	_ =	shalt  }
0x4b: {  	_ =	shalt  }
0x4c: {  	_ =	shalt  }
0x4d: {  	_ =	shalt  }
0x4e: {  	_ =	shalt  }
0x4f: {  	_ =	shalt  }
0x50: {  	_ =	shalt  }
0x51: {  	_ =	shalt  }
0x52: {  	_ =	shalt  }
0x53: {  	_ =	shalt  }
0x54: {  	_ =	shalt  }
0x55: {  	_ =	shalt  }
0x56: {  	_ =	shalt  }
0x57: {  	_ =	shalt  }
0x58: {  	_ =	shalt  }
0x59: {  	_ =	shalt  }
0x5a: {  	_ =	shalt  }
0x5b: {  	_ =	shalt  }
0x5c: {  	_ =	shalt  }
0x5d: {  	_ =	shalt  }
0x5e: {  	_ =	shalt  }
0x5f: {  	_ =	shalt  }
0x60: {  	_ =	shalt  }
0x61: {  	_ =	shalt  }
0x62: {  	_ =	shalt  }
0x63: {  	_ =	shalt  }
0x64: {  	_ =	shalt  }
0x65: {  	_ =	shalt  }
0x66: {  	_ =	shalt  }
0x67: {  	_ =	shalt  }
0x68: {  	_ =	shalt  }
0x69: {  	_ =	shalt  }
0x6a: {  	_ =	shalt  }
0x6b: {  	_ =	shalt  }
0x6c: {  	_ =	shalt  }
0x6d: {  	_ =	shalt  }
0x6e: {  	_ =	shalt  }
0x6f: {  	_ =	shalt  }
0x70: {  	_ =	shalt  }
0x71: {  	_ =	shalt  }
0x72: {  	_ =	shalt  }
0x73: {  	_ =	shalt  }
0x74: {  	_ =	shalt  }
0x75: {  	_ =	shalt  }
0x76: {  	_ =	shalt  }
0x77: {  	_ =	shalt  }
0x78: {  	_ =	shalt  }
0x79: {  	_ =	shalt  }
0x7a: {  	_ =	shalt  }
0x7b: {  	_ =	shalt  }
0x7c: {  	_ =	shalt  }
0x7d: {  	_ =	shalt  }
0x7e: {  	_ =	shalt  }
0x7f: {  	_ =	shalt  }
0x80: {  	_ =	shalt  }
0x81: {  	_ =	shalt  }
0x82: {  	_ =	shalt  }
0x83: {  	_ =	shalt  }
0x84: {  	_ =	shalt  }
0x85: {  	_ =	shalt  }
0x86: {  	_ =	shalt  }
0x87: {  	_ =	shalt  }
.Lfunc_end0:
.L_simem_size_0:
called_computation.1_lowered:
.L_overlay_start_0:
0x88: {  	s2 =	sld [smem:$0x3FD9]  }
0x89: {  	s3 =	sld [smem:$0x3FFE];
	_ =	sdelay $0x1  }
0x8a: {  	s1 =	srdreg.scid  }
0x8b: {  	s0 =	sand.u32 $0x1, s1  }
0x8c: {  	s17 =	sshll.u32 s0, $0xA;
	s2 =	sadd.s32 s3, s2  }
0x8d: {  	s2 =	sadd.s32 s2, s17  }
0x8e: {  	[smem:$0x3FC6] =	sst s2  }
0x8f: {  	_ = 	snop  }
0x90: {  	s2 =	sld [smem:$0x3FD0];
	(tm) =	ssettm $0x1  }
0x91: {  	s18 =	sld [smem:$0x3FFB];
	_ =	sdelay $0x3  }
0x92: {  	_ =	strace s18  }
0x93: {  	s3 =	sld [smem:$0x3FFC];
	_ =	sdelay $0x3  }
0x94: {  	_ =	strace s3  }
0x95: {  	s3 =	sld [smem:$0x3FFD];
	_ =	sdelay $0x3  }
0x96: {  	_ =	strace s3  }
0x97: {  	_ =	strace $0x8FFFFFFF  }
0x98: {  	s19 =	sld [smem:$0x3FDB];
	_ =	sdelay $0x1  }
0x99: {  	s4 =	simm.s32 $_scs_section_size  }
0x9a: {  	s5 =	simm.s32 $_size__tile_overlayer_lowered;
	s6 =	simm.s32 $_tile_overlayer_lowered  }
0x9b: {  	s22 =	simm.s32 $0x1BFF;
	s21 =	sshll.u32 s6, $0x1;
	s3 =	sadd.s32 s4, s19  }
0x9c: {  	s7 =	simm.s32 $0x0;
	s20 =	sshll.u32 s5, $0x1;
	s5 =	sadd.s32 s21, s3  }
0x9d: {  	[timem:s7], [sflag:s22] =	dma.local [hbm:s5], s20  }
0x9e: {  	_ =	swait.ge [sflag:s22], s20  }
0x9f: {  	s4 =	ssub.s32 $0x0, s20;
	[sflag:s22] =	ssyncset.done $0x0  }
0xa0: {  	[sflag:s22] =	ssyncadd.s32 s4;
	_ =	sdelay $0x1  }
0xa1: {  	s23 =	simm.s32 $0x1B8B  }
0xa2: {  	_ =	swait.ge [sflag:s23], $0x1  }
0xa3: {  	[sflag:s23] =	ssyncset.done $0x0  }
0xa4: {  	s25 =	simm.s32 $0x1B8E;
	s24 =	sld [smem:$0x3FFE];
	[sflag:s23] =	ssyncadd.s32 $0xFFFFFFFF  }
0xa5: {  	s26 =	simm.s32 $execute0_lowered;
	[smem:$0x3FD2] =	sst s25  }
0xa6: {  	s5 =	sshll.u32 s26, $0x1;
	_ =	strace $0x80000046;
	[dreg:$0x1] =	wrdreg $0xFFFFFFFF  }
0xa7: {  	s28 =	simm.s32 $_size_execute0_lowered;
	s3 =	sadd.s32 s3, s5;
	[dreg:$0x0] =	wrdreg $0x0  }
0xa8: {  	s5 =	sshll.u32 s28, $0x1;
	[dreg:$0x2] =	wrdreg s3  }
0xa9: {  	[dreg:$0x3] =	wrdreg s5  }
0xaa: {  	[dreg:$0x4] =	wrdreg $0xC0  }
0xab: {  	_ =	task [dreg:s7], $0x5FFFF  }
0xac: {  	[dreg:$0x1] =	wrdreg $0xFFFFFFFF  }
0xad: {  	[dreg:$0x0] =	wrdreg $0x60  }
0xae: {  	[dreg:$0x2] =	wrdreg s2  }
0xaf: {  	[dreg:$0x3] =	wrdreg s24  }
0xb0: {  	[dreg:$0x4] =	wrdreg $0x9  }
0xb1: {  	_ =	task.clear_ibuf [dreg:s7], $0x5FFFF;
	_ =	strace $0x90000046  }
0xb2: {  	s29 =	simm.s32 $0x9;
	_ =	strace $0x80000048  }
0xb3: {  	_ =	swait.ge [sflag:s29], $0x1  }
0xb4: {  	[sflag:s29] =	ssyncadd.s32 $0xFFFFFFFF  }
0xb5: {  	_ =	strace $0x90000048  }
0xb6: {  	_ =	sfence  }
0xb7: {  	s30 =	sld [smem:$0x0];
	_ =	sdelay $0x2  }
0xb8: {  	s31 =	sshll.u32 s1, $0xD;
	s1 =	sshrl.u32 s1, $0x2  }
0xb9: {  	s3 =	sand.u32 $0x4000, s31;
	s1 =	sadd.s32 s1, s30  }
0xba: {  	s0 =	sor.u32 s3, s0;
	s1 =	sshll.u32 s1, $0x11  }
0xbb: {  	s0 =	sor.u32 s1, s0  }
0xbc: {  	s0 =	sadd.s32 $0x8F2B, s0  }
0xbd: {  	[sflag:s0] =	ssyncadd.remote.s32 $0x1  }
0xbe: {  	_ =	sfence.sel $0xFFFF  }
0xbf: {  	[dreg:$0x0] =	wrdreg $0xFFFFFFFF;
	(pc) =	sbr.abs _section_cstart, $3  }
0xc0: {  	[dreg:$0x1] =	wrdreg $0xFFFFFFFF  }
0xc1: {  	_ =	task.clear_ibuf [dreg:s7], $0x2FFFF;
	_ =	strace $0x9FFFFFFF  }
0xc2: {  	(tm) =	ssettm $0x7FFFFFFF  }
0xc3: {  	_ =	shalt  }
tec
execute0_lowered:
.L_overlay_start_1:
0x0: {  	(tag) =	ssettag $0x1  }
0x1: {  	s1 =	rddreg [dreg:$0x0]  }
0x2: {  	s5 =	rddreg [dreg:$0x1]  }
0x3: {  	s0 =	rddreg [dreg:$0x2];
	s3 =	simm.s32 $0x0;
	s6 =	srdreg.scid  }
0x4: {  	s2 =	stileid.u32;
	s12 =	simm.s32 $0x800;
	s13 =	simm.s32 $0x1  }
0x5: {  	s14 =	simm.s32 $0x1800;
	s15 =	simm.s32 $0x2800;
	s17 =	simm.s32 $0x2  }
0x6: {  	s18 =	simm.s32 $0x0;
	[smem:$0x7FF] =	sst s3;
	s4 =	sadd.s32 $0x400, s5  }
0x7: {  	s6 =	sand.u32 $0x1, s6;
	s7 =	sshll.u32 s2, $0x1;
	s5 =	sadd.s32 $0x600, s5  }
0x8: {  	s10 =	sshrl.u32 s2, $0x2;
	_ =	strace $0x80000047;
	s8 =	ssub.s32 $0x2, s6  }
0x9: {  	s7 =	sand.u32 $0x6, s7;
	s16 =	sshll.u32 s10, $0x9;
	s10 =	sshll.u32 s10, $0x15  }
0xa: {  	s9 =	sshrl.u32 s8, $0x1;
	s7 =	sor.u32 s6, s7;
	v0 =	vmov s16;
	s16 =	simm.s32 $0xA800  }
0xb: {  	s11 =	ssub.s32 s8, s9;
	s30 =	sshll.u32 s7, $0xF;
	s31 =	sshll.u32 s7, $0x17  }
0xc: {  	s6 =	sshll.u32 s7, $0x12;
	s7 =	sadd.s32 s1, s30;
	s8 =	sor.u32 s10, s31  }
0xd: {  	s9 =	sor.u32 $0x2000, s6;
	s10 =	smax.u32 s11, $0x1;
	s11 =	simm.s32 $0x3  }
.LBB2_1:
0xe: {  	[tilespmem:s3], [sflag:$0x3] =	stream.linear.gather [hbm4b:s4+s3], $0x800, $0x38;
	[tilespmem:$0x12800] =	vst v63  }
0xf: {  	_ =	swait.ge [sflag:s11], $0x800  }
0x10: {  	[sflag:s11] =	ssyncset.done $0x0  }
0x11: {  	s19 =	simm.s32 $0x0;
	[sflag:s11] =	ssyncadd.s32 $0xFFFFF800  }
0x12: {  	[tilespmem:s12], [sflag:$0x1] =	stream.linear.gather [hbm4b:s7+s3], $0x1000, $0x38;
	[tilespmem:$0x12800] =	vst v63  }
.LBB2_2:
0x13: {  	s20 =	sshllo.u32 s19, $0x1  }
0x14: {  	s21 =	sshll.u32 s20, $0xC  }
0x15: {  	_ =	swait.ge [sflag:s13], $0x1000;
	s21 =	sadd.s32 s6, s21  }
0x16: {  	[sflag:s13] =	ssyncset.done $0x0;
	s21 =	sshrl.u32 s21, $0x3  }
0x17: {  	p0 =	seq.s32 s19, $0x0;
	[sflag:s13] =	ssyncadd.s32 $0xFFFFF000;
	s21 =	sadd.s32 s1, s21  }
0x18: {  	[tilespmem:s14], [sflag:$0x1] =	stream.linear.gather [hbm4b:s21+s3], $0x1000, $0x38;
	[tilespmem:$0x12800] =	vst v63  }
0x19: {  	s21 =	simm.s32 @!p0 $0x2  }
0x1a: {  	s22 =	simm.s32 $0x0;
	_ =	swait.ge @!p0 [sflag:s21], $0x8000  }
0x1b: {  	s23 =	simm.s32 $0x800;
	s24 =	simm.s32 $0x0;
	[sflag:s21] =	ssyncset.done @!p0 $0x0  }
0x1c: {  	s25 =	simm.s32 $0x0;
	[sflag:s21] =	ssyncadd.s32 @!p0 $0xFFFF8000;
	s21 =	simm.s32 $0xFFFFFFFE  }
.LBB2_3:
0x1d: {  	v1 =	vld [tilespmem:s23+$0x0];
	_ =	sdelay $0x4  }
0x1e: {  	vm0 =	vlt.s32 v1, $0x33  }
0x1f: {  	vm1 =	vlt.s32 v1, $0x0;
	v1 =	vnsel vm0, $0x33, v1  }
0x20: {  	v1 =	vsel vm1, $0x34, v1  }
0x21: {  	v2 =	vadd.s32 v0, v1;
	_ =	sdelay $0x4  }
0x22: {  	v3 =	vld.idx.msk [tilespmem:v2+s3+$0x0], $0xffff  }
0x23: {  	v4 =	vadd.s32 $0x40, v2  }
0x24: {  	s26 =	sand.u32 $0x7C00, s25  }
0x25: {  	s28 =	sand.u32 $0x60, s22;
	s26 =	sadd.s32 $0x2800, s26  }
0x26: {  	s29 =	sor.u32 s28, s26  }
0x27: {  	v1 =	vand.u32 $0x7F, v1;
	[tilespmem:s29+$0x0] =	vst v3;
	v3 =	vand.u32 $0xFFFFFF80, v2  }
0x28: {  	v4 =	vld.idx.msk [tilespmem:v4+s3+$0x0], $0xffff;
	v1 =	vor.u32 v1, v3  }
0x29: {  	v3 =	vadd.s32 $0x80, v1;
	_ =	sdelay $0x3  }
0x2a: {  	[tilespmem:s29+$0x80] =	vst v4  }
0x2b: {  	v3 =	vld.idx.msk [tilespmem:v3+s3+$0x0], $0xffff  }
0x2c: {  	v57 =	vadd.s32 $0xC0, v2;
	_ =	sdelay $0x3  }
0x2d: {  	[tilespmem:s29+$0x100] =	vst v3  }
0x2e: {  	v3 =	vld.idx.msk [tilespmem:v57+s3+$0x0], $0xffff  }
0x2f: {  	v58 =	vadd.s32 $0x100, v1;
	_ =	sdelay $0x3  }
0x30: {  	[tilespmem:s29+$0x180] =	vst v3  }
0x31: {  	v3 =	vld.idx.msk [tilespmem:v58+s3+$0x0], $0xffff  }
0x32: {  	v59 =	vadd.s32 $0x140, v2;
	_ =	sdelay $0x3  }
0x33: {  	[tilespmem:s29+$0x200] =	vst v3  }
0x34: {  	v3 =	vld.idx.msk [tilespmem:v59+s3+$0x0], $0xffff  }
0x35: {  	v1 =	vadd.s32 $0x180, v1;
	_ =	sdelay $0x3  }
0x36: {  	[tilespmem:s29+$0x280] =	vst v3  }
0x37: {  	v1 =	vld.idx.msk [tilespmem:v1+s3+$0x0], $0xffff  }
0x38: {  	s30 =	sand.u32 $0x3, s24;
	v2 =	vadd.s32 $0x1C0, v2  }
0x39: {  	s29 =	sshll.u32 s30, $0x5  }
0x3a: {  	s29 =	sadd.s32 s29, s25  }
0x3b: {  	s30 =	sor.u32 $0x300, s29  }
0x3c: {  	[tilespmem:s30+$0x2800] =	vst v1  }
0x3d: {  	v1 =	vld.idx.msk [tilespmem:v2+s3+$0x0], $0xffff;
	_ =	sdelay $0x3  }
0x3e: {  	s31 =	sand.u32 $0xF80, s22;
	s28 =	sor.u32 $0x10, s28;
	s30 =	sor.u32 $0x380, s29  }
0x3f: {  	s31 =	sor.u32 s28, s31;
	[tilespmem:s30+$0x2800] =	vst v1  }
0x40: {  	v1 =	vld [tilespmem:s31+$0x800];
	_ =	sdelay $0x4  }
0x41: {  	vm14 =	vlt.s32 v1, $0x33  }
0x42: {  	vm15 =	vlt.s32 v1, $0x0;
	v1 =	vnsel vm14, $0x33, v1  }
0x43: {  	v1 =	vsel vm15, $0x34, v1  }
0x44: {  	v2 =	vadd.s32 v0, v1;
	_ =	sdelay $0x4  }
0x45: {  	v3 =	vld.idx.msk [tilespmem:v2+s3+$0x0], $0xffff  }
0x46: {  	v60 =	vadd.s32 $0x40, v2;
	_ =	sdelay $0x2  }
0x47: {  	s26 =	sor.u32 s28, s26  }
0x48: {  	v1 =	vand.u32 $0x7F, v1;
	[tilespmem:s26+$0x0] =	vst v3;
	v3 =	vand.u32 $0xFFFFFF80, v2  }
0x49: {  	v4 =	vld.idx.msk [tilespmem:v60+s3+$0x0], $0xffff;
	v1 =	vor.u32 v1, v3  }
0x4a: {  	v3 =	vadd.s32 $0x80, v1;
	_ =	sdelay $0x3  }
0x4b: {  	[tilespmem:s26+$0x80] =	vst v4  }
0x4c: {  	v3 =	vld.idx.msk [tilespmem:v3+s3+$0x0], $0xffff  }
0x4d: {  	v61 =	vadd.s32 $0xC0, v2;
	_ =	sdelay $0x3  }
0x4e: {  	[tilespmem:s26+$0x100] =	vst v3  }
0x4f: {  	v3 =	vld.idx.msk [tilespmem:v61+s3+$0x0], $0xffff  }
0x50: {  	v62 =	vadd.s32 $0x100, v1;
	_ =	sdelay $0x3  }
0x51: {  	[tilespmem:s26+$0x180] =	vst v3  }
0x52: {  	v3 =	vld.idx.msk [tilespmem:v62+s3+$0x0], $0xffff  }
0x53: {  	v63 =	vadd.s32 $0x140, v2;
	_ =	sdelay $0x3  }
0x54: {  	[tilespmem:s26+$0x200] =	vst v3  }
0x55: {  	v3 =	vld.idx.msk [tilespmem:v63+s3+$0x0], $0xffff  }
0x56: {  	v1 =	vadd.s32 $0x180, v1;
	_ =	sdelay $0x3  }
0x57: {  	[tilespmem:s26+$0x280] =	vst v3  }
0x58: {  	v1 =	vld.idx.msk [tilespmem:v1+s3+$0x0], $0xffff  }
0x59: {  	v2 =	vadd.s32 $0x1C0, v2;
	_ =	sdelay $0x1  }
0x5a: {  	s30 =	sadd.s32 $0x10, s29  }
0x5b: {  	s31 =	sor.u32 $0x300, s30  }
0x5c: {  	s21 =	sadd.s32 $0x2, s21;
	[tilespmem:s31+$0x2800] =	vst v1  }
0x5d: {  	p0 =	slt.u32 s21, $0xFE;
	v1 =	vld.idx.msk [tilespmem:v2+s3+$0x0], $0xffff  }
.Ltmp0:
0x5e: {  	_ = 	snop;
	(pc) =	sbr.rel @p0 .LBB2_3-.Ltmp0, $3  }
0x5f: {  	_ =	sdelay $0x1  }
0x60: {  	s24 =	sadd.s32 $0x1, s24;
	s26 =	sor.u32 $0x380, s30  }
0x61: {  	s22 =	sadd.s32 $0x20, s22;
	s23 =	sadd.s32 $0x20, s23;
	s25 =	sadd.s32 $0x100, s25;
	[tilespmem:s26+$0x2800] =	vst v1  }
0x62: {  	s21 =	sshll.u32 s19, $0x10  }
0x63: {  	s21 =	sadd.s32 s8, s21  }
0x64: {  	s21 =	sshrl.u32 s21, $0x3  }
0x65: {  	p0 =	seq.s32 s19, $0x1F;
	s21 =	sadd.s32 s5, s21  }
0x66: {  	[hbm4b:s21+s3] =	stream.linear.scatter [tilespmem:s15], [sflag:$0x2], $0x8000, $0x38;
	[tilespmem:$0x12800] =	vst v63  }
0x67: {  	s21 =	sshll.u32 @!p0 s19, $0xD  }
0x68: {  	p1 =	seq.s32 @!p0 s19, $0x0;
	_ =	swait.ge [sflag:s13], $0x1000;
	s21 =	sadd.s32 @!p0 s21, s9  }
0x69: {  	s22 =	simm.s32 @!p0 $0x0;
	[sflag:s13] =	ssyncset.done $0x0;
	s21 =	sshrl.u32 @!p0 s21, $0x3  }
0x6a: {  	s23 =	simm.s32 @!p0 $0x800;
	[sflag:s13] =	ssyncadd.s32 $0xFFFFF000;
	s21 =	sadd.s32 @!p0 s1, s21  }
0x6b: {  	[tilespmem:s23], [sflag:$0x1] =	stream.linear.gather @!p0 [hbm4b:s21+s22], $0x1000, $0x38;
	[tilespmem:$0x12800] =	vst v63  }
0x6c: {  	p0 =	por p0, !p1  }
0x6d: {  	s24 =	simm.s32 $0x0;
	_ =	swait.ge @p0 [sflag:s17], $0x8000  }
0x6e: {  	s25 =	simm.s32 $0x0;
	s21 =	simm.s32 $0xFFFFFFFE;
	[sflag:s17] =	ssyncset.done @p0 $0x0  }
0x6f: {  	s22 =	simm.s32 $0x0;
	s23 =	simm.s32 $0x1800;
	[sflag:s17] =	ssyncadd.s32 @p0 $0xFFFF8000  }
.LBB2_5:
0x70: {  	v1 =	vld [tilespmem:s23+$0x0];
	_ =	sdelay $0x4  }
0x71: {  	vm0 =	vlt.s32 v1, $0x33  }
0x72: {  	vm1 =	vlt.s32 v1, $0x0;
	v1 =	vnsel vm0, $0x33, v1  }
0x73: {  	v1 =	vsel vm1, $0x34, v1  }
0x74: {  	v2 =	vadd.s32 v0, v1;
	_ =	sdelay $0x4  }
0x75: {  	v3 =	vld.idx.msk [tilespmem:v2+s3+$0x0], $0xffff  }
0x76: {  	v4 =	vadd.s32 $0x40, v2  }
0x77: {  	s26 =	sand.u32 $0x7C00, s25  }
0x78: {  	s28 =	sand.u32 $0x60, s22;
	s26 =	sadd.s32 $0xA800, s26  }
0x79: {  	s29 =	sor.u32 s28, s26  }
0x7a: {  	v1 =	vand.u32 $0x7F, v1;
	[tilespmem:s29+$0x0] =	vst v3;
	v3 =	vand.u32 $0xFFFFFF80, v2  }
0x7b: {  	v4 =	vld.idx.msk [tilespmem:v4+s3+$0x0], $0xffff;
	v1 =	vor.u32 v1, v3  }
0x7c: {  	v3 =	vadd.s32 $0x80, v1;
	_ =	sdelay $0x3  }
0x7d: {  	[tilespmem:s29+$0x80] =	vst v4  }
0x7e: {  	v3 =	vld.idx.msk [tilespmem:v3+s3+$0x0], $0xffff  }
0x7f: {  	v57 =	vadd.s32 $0xC0, v2;
	_ =	sdelay $0x3  }
0x80: {  	[tilespmem:s29+$0x100] =	vst v3  }
0x81: {  	v3 =	vld.idx.msk [tilespmem:v57+s3+$0x0], $0xffff  }
0x82: {  	v58 =	vadd.s32 $0x100, v1;
	_ =	sdelay $0x3  }
0x83: {  	[tilespmem:s29+$0x180] =	vst v3  }
0x84: {  	v3 =	vld.idx.msk [tilespmem:v58+s3+$0x0], $0xffff  }
0x85: {  	v59 =	vadd.s32 $0x140, v2;
	_ =	sdelay $0x3  }
0x86: {  	[tilespmem:s29+$0x200] =	vst v3  }
0x87: {  	v3 =	vld.idx.msk [tilespmem:v59+s3+$0x0], $0xffff  }
0x88: {  	v1 =	vadd.s32 $0x180, v1;
	_ =	sdelay $0x3  }
0x89: {  	[tilespmem:s29+$0x280] =	vst v3  }
0x8a: {  	v1 =	vld.idx.msk [tilespmem:v1+s3+$0x0], $0xffff  }
0x8b: {  	s30 =	sand.u32 $0x3, s24;
	v2 =	vadd.s32 $0x1C0, v2  }
0x8c: {  	s29 =	sshll.u32 s30, $0x5  }
0x8d: {  	s29 =	sadd.s32 s29, s25  }
0x8e: {  	s30 =	sor.u32 $0x300, s29  }
0x8f: {  	[tilespmem:s30+$0xA800] =	vst v1  }
0x90: {  	v1 =	vld.idx.msk [tilespmem:v2+s3+$0x0], $0xffff;
	_ =	sdelay $0x3  }
0x91: {  	s31 =	sand.u32 $0xF80, s22;
	s28 =	sor.u32 $0x10, s28;
	s30 =	sor.u32 $0x380, s29  }
0x92: {  	s31 =	sor.u32 s28, s31;
	[tilespmem:s30+$0xA800] =	vst v1  }
0x93: {  	v1 =	vld [tilespmem:s31+$0x1800];
	_ =	sdelay $0x4  }
0x94: {  	vm14 =	vlt.s32 v1, $0x33  }
0x95: {  	vm15 =	vlt.s32 v1, $0x0;
	v1 =	vnsel vm14, $0x33, v1  }
0x96: {  	v1 =	vsel vm15, $0x34, v1  }
0x97: {  	v2 =	vadd.s32 v0, v1;
	_ =	sdelay $0x4  }
0x98: {  	v3 =	vld.idx.msk [tilespmem:v2+s3+$0x0], $0xffff  }
0x99: {  	v60 =	vadd.s32 $0x40, v2;
	_ =	sdelay $0x2  }
0x9a: {  	s26 =	sor.u32 s28, s26  }
0x9b: {  	v1 =	vand.u32 $0x7F, v1;
	[tilespmem:s26+$0x0] =	vst v3;
	v3 =	vand.u32 $0xFFFFFF80, v2  }
0x9c: {  	v4 =	vld.idx.msk [tilespmem:v60+s3+$0x0], $0xffff;
	v1 =	vor.u32 v1, v3  }
0x9d: {  	v3 =	vadd.s32 $0x80, v1;
	_ =	sdelay $0x3  }
0x9e: {  	[tilespmem:s26+$0x80] =	vst v4  }
0x9f: {  	v3 =	vld.idx.msk [tilespmem:v3+s3+$0x0], $0xffff  }
0xa0: {  	v61 =	vadd.s32 $0xC0, v2;
	_ =	sdelay $0x3  }
0xa1: {  	[tilespmem:s26+$0x100] =	vst v3  }
0xa2: {  	v3 =	vld.idx.msk [tilespmem:v61+s3+$0x0], $0xffff  }
0xa3: {  	v62 =	vadd.s32 $0x100, v1;
	_ =	sdelay $0x3  }
0xa4: {  	[tilespmem:s26+$0x180] =	vst v3  }
0xa5: {  	v3 =	vld.idx.msk [tilespmem:v62+s3+$0x0], $0xffff  }
0xa6: {  	v63 =	vadd.s32 $0x140, v2;
	_ =	sdelay $0x3  }
0xa7: {  	[tilespmem:s26+$0x200] =	vst v3  }
0xa8: {  	v3 =	vld.idx.msk [tilespmem:v63+s3+$0x0], $0xffff  }
0xa9: {  	v1 =	vadd.s32 $0x180, v1;
	_ =	sdelay $0x3  }
0xaa: {  	[tilespmem:s26+$0x280] =	vst v3  }
0xab: {  	v1 =	vld.idx.msk [tilespmem:v1+s3+$0x0], $0xffff  }
0xac: {  	v2 =	vadd.s32 $0x1C0, v2;
	_ =	sdelay $0x1  }
0xad: {  	s30 =	sadd.s32 $0x10, s29  }
0xae: {  	s31 =	sor.u32 $0x300, s30  }
0xaf: {  	s21 =	sadd.s32 $0x2, s21;
	[tilespmem:s31+$0xA800] =	vst v1  }
0xb0: {  	p0 =	slt.u32 s21, $0xFE;
	v1 =	vld.idx.msk [tilespmem:v2+s3+$0x0], $0xffff  }
.Ltmp1:
0xb1: {  	_ = 	snop;
	(pc) =	sbr.rel @p0 .LBB2_5-.Ltmp1, $3  }
0xb2: {  	_ =	sdelay $0x1  }
0xb3: {  	s24 =	sadd.s32 $0x1, s24;
	s26 =	sor.u32 $0x380, s30  }
0xb4: {  	s22 =	sadd.s32 $0x20, s22;
	s23 =	sadd.s32 $0x20, s23;
	s25 =	sadd.s32 $0x100, s25;
	[tilespmem:s26+$0xA800] =	vst v1  }
0xb5: {  	s19 =	sadd.s32 $0x1, s19  }
0xb6: {  	p0 =	sne.s32 s19, $0x20  }
.Ltmp2:
0xb7: {  	s20 =	sshll.u32 s20, $0xF;
	(pc) =	sbr.rel @p0 .LBB2_2-.Ltmp2, $4  }
0xb8: {  	s20 =	sadd.s32 s8, s20  }
0xb9: {  	s20 =	sshrl.u32 s20, $0x3  }
0xba: {  	s20 =	sadd.s32 s5, s20  }
0xbb: {  	[hbm4b:s20+s3] =	stream.linear.scatter [tilespmem:s16], [sflag:$0x2], $0x8000, $0x38;
	[tilespmem:$0x12800] =	vst v63  }
0xbc: {  	s18 =	sadd.s32 $0x1, s18  }
0xbd: {  	_ =	swait.ge [sflag:s17], $0x8000;
	p0 =	sne.s32 s18, s10  }
.Ltmp3:
0xbe: {  	[sflag:s17] =	ssyncset.done $0x0;
	(pc) =	sbr.rel @p0 .LBB2_1-.Ltmp3, $4  }
0xbf: {  	[sflag:s17] =	ssyncadd.s32 $0xFFFF8000  }
0xc0: {  	_ =	swait.ge [sflag:s17], $0x8000  }
0xc1: {  	[sflag:s17] =	ssyncset.done $0x0  }
0xc2: {  	[sflag:s17] =	ssyncadd.s32 $0xFFFF8000  }
0xc3: {  	_ =	sfence.sel $0x180000  }
0xc4: {  	[bflag:$0x0] =	sbarrier.arrive $0xFFFF  }
0xc5: {  	p0 =	sne.s32 s2, $0x0;
	_ =	strace $0x90000047  }
0xc6: {  	s0 =	sadd.s32 @!p0 $0x100000, s0;
	[bflag:$0x2] =	sbarrier.arrive $0xFFFF  }
0xc7: {  	[sflag:s0] =	ssyncadd.tile.s32 @!p0 $0x1;
	_ =	shalt  }
.Lfunc_end2:
_tile_overlayer_lowered:
.L_overlay_start_2:
0xc8: {  	(tag) =	ssettag $0x2  }
0xc9: {  	s0 =	rddreg [dreg:$0x0];
	s2 =	stileid.u32  }
0xca: {  	s1 =	rddreg [dreg:$0x1];
	p0 =	sne.s32 s2, $0x0  }
0xcb: {  	s3 =	rddreg [dreg:$0x2];
	[bflag:$0x3] =	sbarrier.arrive $0xFFFF;
	s2 =	simm.s32 @!p0 $0x1C03  }
0xcc: {  	[timem:s3], [sflag:s2] =	dma.local @!p0 [hbm:s0], s1  }
0xcd: {  	s0 =	simm.s32 @!p0 $0x3  }
0xce: {  	_ =	swait.ge @!p0 [sflag:s0], s1  }
0xcf: {  	s1 =	ssub.s32 @!p0 $0x0, s1;
	[sflag:s0] =	ssyncset.done @!p0 $0x0  }
0xd0: {  	[sflag:s0] =	ssyncadd.s32 @!p0 s1  }
0xd1: {  	[bflag:$0x3] =	sbarrier.arrive $0xFFFF  }
0xd2: {  	_ =	shalt  }

// kernel: sparse-core-data-format-call.cloned.1.call-start
scs
called_computation_lowered:
.L_overlay_start_0:
0x0: {  	s2 =	sld [smem:$0x3FD9]  }
0x1: {  	s3 =	sld [smem:$0x3FFE];
	_ =	sdelay $0x1  }
0x2: {  	s1 =	srdreg.scid  }
0x3: {  	s0 =	sand.u32 $0x1, s1  }
0x4: {  	s18 =	sshll.u32 s0, $0xA;
	s2 =	sadd.s32 s3, s2  }
0x5: {  	s2 =	sadd.s32 s2, s18  }
0x6: {  	[smem:$0x3FC6] =	sst s2  }
0x7: {  	_ = 	snop  }
0x8: {  	s2 =	sld [smem:$0x3FD0];
	(tm) =	ssettm $0x1  }
0x9: {  	s19 =	sld [smem:$0x3FFB];
	_ =	sdelay $0x3  }
0xa: {  	_ =	strace s19  }
0xb: {  	s3 =	sld [smem:$0x3FFC];
	_ =	sdelay $0x3  }
0xc: {  	_ =	strace s3  }
0xd: {  	s3 =	sld [smem:$0x3FFD];
	_ =	sdelay $0x3  }
0xe: {  	_ =	strace s3  }
0xf: {  	_ =	strace $0x8FFFFFFF  }
0x10: {  	s20 =	sld [smem:$0x3FDB];
	_ =	sdelay $0x1  }
0x11: {  	s4 =	simm.s32 $_scs_section_size  }
0x12: {  	s5 =	simm.s32 $_size__tile_overlayer_lowered;
	s6 =	simm.s32 $_tile_overlayer_lowered  }
0x13: {  	s23 =	simm.s32 $0x1BFF;
	s22 =	sshll.u32 s6, $0x1;
	s3 =	sadd.s32 s4, s20  }
0x14: {  	s7 =	simm.s32 $0x0;
	s21 =	sshll.u32 s5, $0x1;
	s5 =	sadd.s32 s22, s3  }
0x15: {  	[timem:s7], [sflag:s23] =	dma.local [hbm:s5], s21  }
0x16: {  	_ =	swait.ge [sflag:s23], s21  }
0x17: {  	s4 =	ssub.s32 $0x0, s21;
	[sflag:s23] =	ssyncset.done $0x0  }
0x18: {  	[sflag:s23] =	ssyncadd.s32 s4;
	_ =	sdelay $0x1  }
0x19: {  	s24 =	simm.s32 $0x1B8B  }
0x1a: {  	_ =	swait.ge [sflag:s24], $0x1  }
0x1b: {  	[sflag:s24] =	ssyncset.done $0x0  }
0x1c: {  	s26 =	simm.s32 $0x1B8E;
	s25 =	sld [smem:$0x3FFE];
	[sflag:s24] =	ssyncadd.s32 $0xFFFFFFFF  }
0x1d: {  	s27 =	simm.s32 $execute0_lowered;
	[smem:$0x3FD2] =	sst s26  }
0x1e: {  	s5 =	sshll.u32 s27, $0x1;
	_ =	strace $0x80000049;
	[dreg:$0x1] =	wrdreg $0xFFFFFFFF  }
0x1f: {  	s28 =	simm.s32 $_size_execute0_lowered;
	s3 =	sadd.s32 s3, s5;
	[dreg:$0x0] =	wrdreg $0x0  }
0x20: {  	s5 =	sshll.u32 s28, $0x1;
	[dreg:$0x2] =	wrdreg s3  }
0x21: {  	[dreg:$0x3] =	wrdreg s5  }
0x22: {  	[dreg:$0x4] =	wrdreg $0xC0  }
0x23: {  	_ =	task [dreg:s7], $0x5FFFF  }
0x24: {  	[dreg:$0x1] =	wrdreg $0xFFFFFFFF  }
0x25: {  	[dreg:$0x0] =	wrdreg $0x60  }
0x26: {  	[dreg:$0x2] =	wrdreg s25  }
0x27: {  	[dreg:$0x3] =	wrdreg s2  }
0x28: {  	[dreg:$0x4] =	wrdreg $0x9  }
0x29: {  	_ =	task.clear_ibuf [dreg:s7], $0x5FFFF;
	_ =	strace $0x90000049  }
0x2a: {  	s29 =	simm.s32 $0x9;
	_ =	strace $0x8000004B  }
0x2b: {  	_ =	swait.ge [sflag:s29], $0x1  }
0x2c: {  	[sflag:s29] =	ssyncadd.s32 $0xFFFFFFFF  }
0x2d: {  	_ =	strace $0x9000004B  }
0x2e: {  	_ =	sfence  }
0x2f: {  	s30 =	sld [smem:$0x0];
	_ =	sdelay $0x2  }
0x30: {  	s31 =	sshll.u32 s1, $0xD;
	s1 =	sshrl.u32 s1, $0x2  }
0x31: {  	s3 =	sand.u32 $0x4000, s31;
	s1 =	sadd.s32 s1, s30  }
0x32: {  	s0 =	sor.u32 s3, s0;
	s1 =	sshll.u32 s1, $0x11  }
0x33: {  	s0 =	sor.u32 s1, s0  }
0x34: {  	s0 =	sadd.s32 $0x8F2B, s0  }
0x35: {  	[sflag:s0] =	ssyncadd.remote.s32 $0x1  }
0x36: {  	_ =	sfence.sel $0xFFFF  }
0x37: {  	[dreg:$0x0] =	wrdreg $0xFFFFFFFF;
	(pc) =	sbr.abs _section_cstart, $3  }
0x38: {  	[dreg:$0x1] =	wrdreg $0xFFFFFFFF  }
0x39: {  	_ =	task.clear_ibuf [dreg:s7], $0x2FFFF;
	_ =	strace $0x9FFFFFFF  }
0x3a: {  	(tm) =	ssettm $0x7FFFFFFF  }
0x3b: {  	_ =	shalt  }
tec
execute0_lowered:
.L_overlay_start_1:
0x0: {  	(tag) =	ssettag $0x1  }
0x1: {  	s1 =	rddreg [dreg:$0x0]  }
0x2: {  	s2 =	rddreg [dreg:$0x1]  }
0x3: {  	s0 =	rddreg [dreg:$0x2];
	_ =	strace $0x8000004A;
	s4 =	srdreg.scid  }
0x4: {  	s6 =	simm.s32 $0x2;
	s12 =	simm.s32 $0x0;
	p0 =	por $0x0, $0x0  }
0x5: {  	s13 =	simm.s32 $0x0;
	s15 =	simm.s32 $0x0;
	s14 =	simm.s32 $0x0  }
.Ltmp0:
0x6: {  	s8 =	simm.s32 $0x0;
	s9 =	simm.s32 $0x0;
	(pc) =	sbr.rel .LBB1_1-.Ltmp0, $4  }
0x7: {  	s10 =	simm.s32 $0x0;
	s3 =	sadd.s32 $0x600, s1;
	s5 =	sshll.u32 s4, $0x4  }
0x8: {  	s1 =	stileid.u32;
	s4 =	simm.s32 $0x1;
	s5 =	sand.u32 $0x10, s5  }
0x9: {  	s7 =	simm.s32 $0x0;
	[sflag:s4] =	ssyncpa.u1 $0x0;
	s5 =	sor.u32 s1, s5  }
0xa: {  	[sflag:s6] =	ssyncpa.u1 $0x0;
	s6 =	simm.s32 $0x40000;
	s11 =	smov.u32 s5  }
.LBB1_7:
0xb: {  	s16 =	sadd.s32 $0x100, s8  }
0xc: {  	s12 =	sadd.s32 $0x8, s9;
	s17 =	smov.u32 s9;
	p2 =	sgt.s32 s16, $0x1FF  }
0xd: {  	s17 =	smov.u32 @p2 s12  }
0xe: {  	s18 =	smov.u32 s10;
	s12 =	sadd.s32 $0x8, s10;
	p3 =	sgt.s32 s17, $0x7  }
0xf: {  	s18 =	smov.u32 @p3 s12  }
0x10: {  	s19 =	smov.u32 s11;
	s12 =	sadd.s32 $0x20, s11;
	p4 =	sgt.s32 s18, $0x1FF  }
0x11: {  	p1 =	slt.u32 s7, $0x2;
	s19 =	smov.u32 @p4 s12  }
0x12: {  	s7 =	sadd.s32 $0x1, s7;
	s16 =	simm.s32 @p2 $0x0;
	p2 =	sgt.s32 s19, $0x1F  }
0x13: {  	s20 =	simm.s32 @!p1 $0x2;
	s19 =	smov.u32 @p2 s5;
	p2 =	sne.s32 s7, $0x82  }
.Ltmp1:
0x14: {  	s13 =	smov.u32 s9;
	_ =	swait.ge @!p1 [sflag:s20], $0x4000;
	(pc) =	sbr.rel @!p2 .LBB1_8-.Ltmp1, $4  }
0x15: {  	s15 =	smov.u32 s10;
	s14 =	smov.u32 s11;
	[sflag:s20] =	ssyncset.done @!p1 $0x0  }
0x16: {  	p0 =	por !p0, !p0;
	s17 =	simm.s32 @p3 $0x0;
	[sflag:s20] =	ssyncadd.s32 @!p1 $0xFFFFC000  }
0x17: {  	s9 =	smov.u32 s17;
	s18 =	simm.s32 @p4 $0x0;
	s12 =	smov.u32 s8  }
0x18: {  	s8 =	smov.u32 s16;
	s10 =	smov.u32 s18;
	s11 =	smov.u32 s19  }
.LBB1_1:
0x19: {  	p1 =	sgt.u32 s7, $0x7F  }
0x1a: {  	s16 =	sxor.u32 @!p1 $0xFFFFFFFF, s7;
	s17 =	sshll.u32 @!p1 s8, $0x3  }
0x1b: {  	s18 =	sshll.u32 @!p1 s9, $0x7;
	s19 =	sand.u32 @!p1 $0x78, s8;
	s20 =	sshll.u32 @!p1 s11, $0x12  }
0x1c: {  	s21 =	sshll.u32 @!p1 s10, $0x9;
	s16 =	sshll.u32 @!p1 s16, $0xE;
	s18 =	sand.u32 @!p1 $0x380, s18  }
0x1d: {  	s17 =	sand.u32 @!p1 $0xC00, s17;
	s16 =	sand.u32 @!p1 $0x4000, s16;
	s18 =	sor.u32 @!p1 s19, s18  }
0x1e: {  	s19 =	sand.u32 @!p1 $0x7, s8;
	s17 =	sor.u32 @!p1 s17, s18;
	s18 =	sadd.s32 @!p1 s3, s20  }
0x1f: {  	s19 =	sshll.u32 @!p1 s19, $0x12;
	s17 =	sshrl.u32 @!p1 s17, $0x3;
	s18 =	sadd.s32 @!p1 s21, s18  }
0x20: {  	s17 =	sadd.s32 @!p1 s17, s18;
	s18 =	sor.u32 @!p1 $0x800, s19;
	s19 =	simm.s32 @!p1 $0x1000  }
0x21: {  	[tilespmem:s16], [sflag:$0x1] =	stream.strided.gather @!p1 [hbm4b:s17+s18], $0x4000, s19, s18, $0x38;
	[tilespmem:$0x10000] =	vst v63  }
0x22: {  	p1 =	seq.s32 s7, $0x0  }
0x23: {  	p2 =	seq.s32 @!p1 s7, $0x81  }
0x24: {  	p1 =	por p1, p2  }
.Ltmp2:
0x25: {  	_ = 	snop;
	(pc) =	sbr.rel @p1 .LBB1_7-.Ltmp2, $1  }
0x26: {  	_ =	sdelay $0x3  }
0x27: {  	s16 =	simm.s32 $0x1;
	_ =	swait.ge [sflag:s4], $0x4000  }
0x28: {  	s31 =	sshll.u32 s7, $0xE;
	s21 =	simm.s32 $0x0;
	p1 =	por $0x0, $0x0  }
0x29: {  	s22 =	simm.s32 $0x0;
	s23 =	simm.s32 $0x0;
	s16 =	simm.s32 @!p0 $0x0  }
0x2a: {  	[sflag:s4] =	ssyncset.done $0x0;
	s19 =	sand.u32 $0x4000, s31;
	s16 =	sshll.u32 s16, $0x10  }
0x2b: {  	[sflag:s4] =	ssyncadd.s32 $0xFFFFC000;
	s20 =	sshrl.u32 s16, $0x2;
	s16 =	sor.u32 $0x8000, s19  }
0x2c: {  	s17 =	sor.u32 $0x40, s20;
	s18 =	sor.u32 $0x8410, s20;
	s20 =	sadd.s32 $0x8400, s20  }
.LBB1_3:
0x2d: {  	v1 =	vld [tilespmem:s17+$0xFFFFFFD0]  }
0x2e: {  	v2 =	vld [tilespmem:s17+$0x430]  }
0x2f: {  	s24 =	sshll.u32 s23, $0xB;
	v4 =	vld [tilespmem:s17+$0xFFFFFFE0]  }
0x30: {  	v7 =	vld [tilespmem:s17+$0xFFFFFFF0];
	v0 =	vmov s24  }
0x31: {  	v8 =	vld [tilespmem:s17+$0x0]  }
0x32: {  	s30 =	sand.u32 $0x300, s21;
	v9 =	vld [tilespmem:s17+$0x10]  }
0x33: {  	s25 =	sand.u32 $0x80, s21;
	v10 =	vld [tilespmem:s17+$0x20];
	s24 =	sadd.s32 s30, s19  }
0x34: {  	v11 =	vld [tilespmem:s17+$0x30];
	s24 =	sadd.s32 s25, s24;
	s25 =	simm.s32 $0x1;
	[tilespmem:s18+$0x60] =	vst v2  }
0x35: {  	s31 =	sshll.u32 s22, $0x2;
	s25 =	simm.s32 @!p1 $0x0;
	[tilespmem:s18+$0xFFFFFC00] =	vst v1;
	v3 =	vld.idx.msk [tilespmem:v0+s24+$0x400 ss:$0x1], $0xffff  }
0x36: {  	v6 =	vld [tilespmem:s17+$0x3D0];
	s25 =	sshll.u32 s25, $0x9;
	[tilespmem:s18+$0xFFFFFC10] =	vst v4;
	s24 =	sand.u32 $0xFFFFFC00, s31  }
0x37: {  	v5 =	vld [tilespmem:s17+$0x3E0];
	[tilespmem:s18+$0xFFFFFC20] =	vst v7;
	s24 =	sor.u32 s25, s24  }
0x38: {  	[tilespmem:s18+$0xFFFFFC30] =	vst v8;
	v4 =	vld [tilespmem:s17+$0x400];
	s24 =	sshrl.u32 s24, $0x2  }
0x39: {  	[tilespmem:s18+$0xFFFFFC40] =	vst v9;
	v1 =	vld [tilespmem:s17+$0x410];
	s24 =	sadd.s32 s24, s20  }
0x3a: {  	[tilespmem:s24+$0x0] =	vst v3;
	v3 =	vld [tilespmem:s17+$0x3F0]  }
0x3b: {  	s28 =	simm.s32 $0x80;
	s27 =	simm.s32 $0x100;
	[tilespmem:s18+$0xFFFFFC50] =	vst v10;
	v2 =	vld [tilespmem:s17+$0x420]  }
0x3c: {  	s26 =	smov.u32 s18;
	s29 =	sand.u32 $0x300, s28;
	v7 =	vld [tilespmem:s17+$0xFFFFFFC0];
	[tilespmem:s18+$0xFFFFFC60] =	vst v11;
	s25 =	sadd.s32 $0x80, s17  }
.LBB1_4:
0x3d: {  	p2 =	sne.s32 s27, $0x380;
	v8 =	vld [tilespmem:s25+$0xFFFFFFD0];
	s28 =	sand.u32 $0x80, s28;
	s29 =	sadd.s32 s29, s19;
	[tilespmem:s26+$0x0] =	vst v6  }
0x3e: {  	s29 =	sadd.s32 s28, s29;
	v6 =	vld [tilespmem:s25+$0x430];
	[tilespmem:s26+$0x10] =	vst v5;
	s28 =	smov.u32 s27  }
0x3f: {  	v5 =	vld.idx.msk [tilespmem:v0+s29+$0x400 ss:$0x1], $0xffff;
	[tilespmem:s26+$0x20] =	vst v3  }
0x40: {  	v3 =	vld [tilespmem:s25+$0xFFFFFFE0];
	[tilespmem:s26+$0x30] =	vst v4  }
0x41: {  	v4 =	vld [tilespmem:s25+$0xFFFFFFF0];
	[tilespmem:s26+$0xFFFFFBF0] =	vst v7  }
0x42: {  	v7 =	vld [tilespmem:s25+$0x0];
	[tilespmem:s26+$0x40] =	vst v1  }
0x43: {  	v1 =	vld [tilespmem:s25+$0x10];
	[tilespmem:s26+$0x50] =	vst v2;
	s26 =	sadd.s32 $0x800, s26  }
0x44: {  	s24 =	sadd.s32 $0x800, s24;
	v2 =	vld [tilespmem:s25+$0x20];
	[tilespmem:s26+$0x60] =	vst v6  }
0x45: {  	v9 =	vld [tilespmem:s25+$0x30];
	[tilespmem:s24+$0x0] =	vst v5  }
0x46: {  	[tilespmem:s26+$0xFFFFFC00] =	vst v8;
	v6 =	vld [tilespmem:s25+$0x3D0]  }
0x47: {  	[tilespmem:s26+$0xFFFFFC10] =	vst v3;
	v5 =	vld [tilespmem:s25+$0x3E0]  }
.Ltmp3:
0x48: {  	[tilespmem:s26+$0xFFFFFC20] =	vst v4;
	v3 =	vld [tilespmem:s25+$0x3F0];
	(pc) =	sbr.rel @p2 .LBB1_4-.Ltmp3, $4  }
0x49: {  	[tilespmem:s26+$0xFFFFFC30] =	vst v7;
	v4 =	vld [tilespmem:s25+$0x400]  }
0x4a: {  	[tilespmem:s26+$0xFFFFFC40] =	vst v1;
	v1 =	vld [tilespmem:s25+$0x410]  }
0x4b: {  	[tilespmem:s26+$0xFFFFFC50] =	vst v2;
	v2 =	vld [tilespmem:s25+$0x420]  }
0x4c: {  	s27 =	sadd.s32 $0x80, s27;
	s29 =	sand.u32 $0x300, s28;
	v7 =	vld [tilespmem:s25+$0xFFFFFFC0];
	[tilespmem:s26+$0xFFFFFC60] =	vst v9;
	s25 =	sadd.s32 $0x80, s25  }
0x4d: {  	[tilespmem:s26+$0x0] =	vst v6  }
0x4e: {  	[tilespmem:s26+$0x10] =	vst v5  }
0x4f: {  	v49 =	vld [tilespmem:s25+$0x430];
	[tilespmem:s26+$0x20] =	vst v3  }
0x50: {  	v50 =	vld [tilespmem:s25+$0xFFFFFFD0];
	[tilespmem:s26+$0x30] =	vst v4  }
0x51: {  	v51 =	vld [tilespmem:s25+$0xFFFFFFE0];
	[tilespmem:s26+$0x40] =	vst v1  }
0x52: {  	v52 =	vld [tilespmem:s25+$0xFFFFFFF0];
	[tilespmem:s26+$0x50] =	vst v2  }
0x53: {  	s31 =	sadd.s32 $0x800, s26;
	v53 =	vld [tilespmem:s25+$0x0];
	[tilespmem:s26+$0xFFFFFBF0] =	vst v7  }
0x54: {  	v54 =	vld [tilespmem:s25+$0x10];
	[tilespmem:s31+$0x60] =	vst v49  }
0x55: {  	v55 =	vld [tilespmem:s25+$0x20];
	[tilespmem:s31+$0xFFFFFC00] =	vst v50  }
0x56: {  	v56 =	vld [tilespmem:s25+$0x30];
	[tilespmem:s31+$0xFFFFFC10] =	vst v51  }
0x57: {  	v57 =	vld [tilespmem:s25+$0x3D0];
	[tilespmem:s31+$0xFFFFFC20] =	vst v52  }
0x58: {  	v58 =	vld [tilespmem:s25+$0x3E0];
	[tilespmem:s31+$0xFFFFFC30] =	vst v53  }
0x59: {  	v59 =	vld [tilespmem:s25+$0x3F0];
	[tilespmem:s31+$0xFFFFFC40] =	vst v54  }
0x5a: {  	v60 =	vld [tilespmem:s25+$0x400];
	[tilespmem:s31+$0xFFFFFC50] =	vst v55  }
0x5b: {  	v61 =	vld [tilespmem:s25+$0xFFFFFFC0];
	[tilespmem:s31+$0xFFFFFC60] =	vst v56  }
0x5c: {  	s27 =	sand.u32 $0x80, s28;
	s30 =	sadd.s32 s29, s19;
	v62 =	vld [tilespmem:s25+$0x410];
	[tilespmem:s31+$0x0] =	vst v57  }
0x5d: {  	v63 =	vld [tilespmem:s25+$0x420];
	s23 =	sadd.s32 $0x1, s23;
	s27 =	sadd.s32 s27, s30;
	[tilespmem:s31+$0x10] =	vst v58  }
0x5e: {  	p2 =	sne.s32 s23, $0x8;
	v0 =	vld.idx.msk [tilespmem:v0+s27+$0x400 ss:$0x1], $0xffff;
	[tilespmem:s31+$0x20] =	vst v59  }
.Ltmp4:
0x5f: {  	[tilespmem:s31+$0x30] =	vst v60;
	(pc) =	sbr.rel @p2 .LBB1_3-.Ltmp4, $4  }
0x60: {  	[tilespmem:s31+$0xFFFFFBF0] =	vst v61  }
0x61: {  	[tilespmem:s31+$0x40] =	vst v62  }
0x62: {  	s24 =	sadd.s32 $0x800, s24;
	s17 =	sadd.s32 $0x800, s17;
	[tilespmem:s31+$0x50] =	vst v63  }
0x63: {  	s22 =	sadd.s32 $0x80, s22;
	p1 =	por !p1, !p1;
	s18 =	sadd.s32 $0x80, s18;
	[tilespmem:s24+$0x0] =	vst v0  }
0x64: {  	s17 =	sand.u32 $0x78, s12  }
0x65: {  	s18 =	sshll.u32 s15, $0x9;
	s19 =	sshll.u32 s12, $0x3;
	s27 =	sshll.u32 s15, $0x7  }
0x66: {  	s14 =	sshll.u32 s14, $0x12;
	s13 =	sshll.u32 s13, $0xF;
	s30 =	sand.u32 $0x7, s12  }
0x67: {  	s18 =	sand.u32 $0x3F000, s18;
	s19 =	sand.u32 $0x3FC00, s19;
	s28 =	sand.u32 $0x200, s27  }
0x68: {  	s15 =	sand.u32 $0x180, s27;
	s14 =	sadd.s32 s2, s14;
	s18 =	sadd.s32 s18, s19  }
.Ltmp5:
0x69: {  	s15 =	sor.u32 s15, s17;
	s18 =	sor.u32 s28, s18;
	(pc) =	sbr.rel .LBB1_7-.Ltmp5, $4  }
0x6a: {  	s13 =	sadd.s32 s13, s14;
	s15 =	sshrl.u32 s15, $0x3;
	s29 =	sshrl.u32 s18, $0x3  }
0x6b: {  	s12 =	sshll.u32 s30, $0x12;
	s13 =	sadd.s32 s15, s13;
	s31 =	sand.u32 $0x7FC0, s29  }
0x6c: {  	s12 =	sor.u32 $0x800, s12;
	s13 =	sadd.s32 s31, s13  }
0x6d: {  	[hbm4b:s13+s12] =	stream.strided.scatter [tilespmem:s16], [sflag:$0x2], $0x4000, s6, s12, $0x38;
	[tilespmem:$0x10000] =	vst v63  }
.LBB1_8:
0x6e: {  	_ =	sfence.sel $0x180000  }
0x6f: {  	s2 =	simm.s32 $0x1;
	[bflag:$0x0] =	sbarrier.arrive $0xFFFF  }
0x70: {  	s31 =	simm.s32 $0x2;
	[sflag:s2] =	ssyncpa.u1 $0x1  }
0x71: {  	[sflag:s31] =	ssyncpa.u1 $0x1  }
0x72: {  	p0 =	sne.s32 s1, $0x0;
	_ =	strace $0x9000004A  }
0x73: {  	s0 =	sadd.s32 @!p0 $0x100000, s0;
	[bflag:$0x2] =	sbarrier.arrive $0xFFFF  }
0x74: {  	[sflag:s0] =	ssyncadd.tile.s32 @!p0 $0x1;
	_ =	shalt  }
.Lfunc_end1:
_tile_overlayer_lowered:
.L_overlay_start_2:
0x75: {  	(tag) =	ssettag $0x2  }
0x76: {  	s0 =	rddreg [dreg:$0x0];
	s2 =	stileid.u32  }
0x77: {  	s1 =	rddreg [dreg:$0x1];
	p0 =	sne.s32 s2, $0x0  }
0x78: {  	s3 =	rddreg [dreg:$0x2];
	[bflag:$0x3] =	sbarrier.arrive $0xFFFF;
	s2 =	simm.s32 @!p0 $0x1C01  }
0x79: {  	[timem:s3], [sflag:s2] =	dma.local @!p0 [hbm:s0], s1  }
0x7a: {  	s0 =	simm.s32 @!p0 $0x1  }
0x7b: {  	_ =	swait.ge @!p0 [sflag:s0], s1  }
0x7c: {  	s1 =	ssub.s32 @!p0 $0x0, s1;
	[sflag:s0] =	ssyncset.done @!p0 $0x0  }
0x7d: {  	[sflag:s0] =	ssyncadd.s32 @!p0 s1  }
0x7e: {  	[bflag:$0x3] =	sbarrier.arrive $0xFFFF  }
0x7f: {  	_ =	shalt  }

</sc_bundles>
